<compile_context>
chip_gen: v7x
topology: tpu7x:2x2x1
jax: 0.10.2.dev20260603
libtpu: 0.0.44.dev20260713+nightly
codegen_flags: <defaults>
</compile_context>

<pallas_src>
import functools

import jax
import jax.numpy as jnp
import numpy as np
from jax import lax
from jax.experimental import pallas as pl
from jax.experimental.pallas import tpu as pltpu
from jax.experimental.pallas import tpu_sc as plsc

B, F, V, D = 16384, 26, 1000000, 16
H1, H2 = 256, 128
N = B * F
NC, NS = 2, 16
NW = NC * NS
IDXW = 128
CHUNK_ROWS = 8
CHUNK = CHUNK_ROWS * IDXW
N_IDX_ROWS = N // IDXW
ROWS_PER_W = N_IDX_ROWS // NW
N_CHUNKS = ROWS_PER_W // CHUNK_ROWS


def _sc_gather(emb_v, w_first, idx2):
    mesh = plsc.VectorSubcoreMesh(core_axis_name="c", subcore_axis_name="s")

    @functools.partial(
        pl.kernel,
        mesh=mesh,
        compiler_params=pltpu.CompilerParams(
            use_tc_tiling_on_sc=False, needs_layout_passes=False),
        out_type=(
            jax.ShapeDtypeStruct((N, D), jnp.float32),
            jax.ShapeDtypeStruct((N,), jnp.float32),
        ),
        scratch_types=[
            pltpu.VMEM((CHUNK_ROWS, IDXW), jnp.int32),
            pltpu.VMEM((CHUNK, D), jnp.float32),
            pltpu.VMEM((CHUNK,), jnp.float32),
            pltpu.SemaphoreType.DMA,
            pltpu.SemaphoreType.DMA,
        ],
    )
    def k(emb_hbm, w_hbm, idx_hbm, e_out, w_out,
          idx_v, rows_v, wv_v, sem_e, sem_w):
        wid = lax.axis_index("s") * NC + lax.axis_index("c")
        row_base = wid * ROWS_PER_W

        @pl.loop(0, N_CHUNKS)
        def _(c):
            r0 = row_base + c * CHUNK_ROWS
            pltpu.sync_copy(idx_hbm.at[pl.ds(r0, CHUNK_ROWS)], idx_v)
            cps = []
            for j in range(CHUNK_ROWS):
                cps.append(pltpu.async_copy(
                    emb_hbm.at[idx_v.at[j]],
                    rows_v.at[pl.ds(j * IDXW, IDXW)], sem_e))
                cps.append(pltpu.async_copy(
                    w_hbm.at[idx_v.at[j]],
                    wv_v.at[pl.ds(j * IDXW, IDXW)], sem_w))
            for cp in cps:
                cp.wait()
            base = r0 * IDXW
            pltpu.sync_copy(rows_v, e_out.at[pl.ds(base, CHUNK)])
            pltpu.sync_copy(wv_v, w_out.at[pl.ds(base, CHUNK)])

    return k(emb_v, w_first, idx2)


BBLK = 1024


def _fm_mlp_body(e_ref, vals_ref, wf_ref, W1_ref, b1_ref, W2_ref, b2_ref,
                 W3_ref, b3f_ref, R_ref, S_ref, out_ref):
    vals = vals_ref[...]
    vrep = jnp.dot(vals, R_ref[...], preferred_element_type=jnp.float32)
    ev = e_ref[...] * vrep
    first = jnp.sum(wf_ref[...] * vals, axis=1)
    S = S_ref[...]
    sum_e = jnp.dot(ev, S, preferred_element_type=jnp.float32)
    sum_sq = jnp.dot(ev * ev, S, preferred_element_type=jnp.float32)
    second = 0.5 * jnp.sum(sum_e * sum_e - sum_sq, axis=1)
    h = jnp.maximum(jnp.dot(ev, W1_ref[...], preferred_element_type=jnp.float32)
                    + b1_ref[...], 0.0)
    h = jnp.maximum(jnp.dot(h, W2_ref[...], preferred_element_type=jnp.float32)
                    + b2_ref[...], 0.0)
    deep = jnp.dot(h, W3_ref[...], preferred_element_type=jnp.float32)[:, 0]
    logits = first + second + deep + b3f_ref[0, 0]
    out_ref[...] = 1.0 / (1.0 + jnp.exp(-logits))


def _fm_mlp(e2, vals, wf, W1, b1, W2, b2, W3, b3f, R, S):
    grid = (B // BBLK,)
    return pl.pallas_call(
        _fm_mlp_body,
        grid=grid,
        in_specs=[
            pl.BlockSpec((BBLK, F * D), lambda i: (i, 0)),
            pl.BlockSpec((BBLK, F), lambda i: (i, 0)),
            pl.BlockSpec((BBLK, F), lambda i: (i, 0)),
            pl.BlockSpec((F * D, H1), lambda i: (0, 0)),
            pl.BlockSpec((1, H1), lambda i: (0, 0)),
            pl.BlockSpec((H1, H2), lambda i: (0, 0)),
            pl.BlockSpec((1, H2), lambda i: (0, 0)),
            pl.BlockSpec((H2, 1), lambda i: (0, 0)),
            pl.BlockSpec((1, 1), lambda i: (0, 0)),
            pl.BlockSpec((F, F * D), lambda i: (0, 0)),
            pl.BlockSpec((F * D, D), lambda i: (0, 0)),
        ],
        out_specs=pl.BlockSpec((BBLK,), lambda i: (i,)),
        out_shape=jax.ShapeDtypeStruct((B,), jnp.float32),
    )(e2, vals, wf, W1, b1, W2, b2, W3, b3f, R, S)


_R_np = np.zeros((F, F * D), dtype=np.float32)
for _f in range(F):
    _R_np[_f, _f * D:(_f + 1) * D] = 1.0
_S_np = np.zeros((F * D, D), dtype=np.float32)
for _f in range(F):
    _S_np[np.arange(_f * D, (_f + 1) * D), np.arange(D)] = 1.0


def kernel(feat_ids, feat_vals, w_first, emb_v, W1, b1, W2, b2, W3, b3, bias):
    idx2 = feat_ids.reshape(N_IDX_ROWS, IDXW)
    e_raw, wf_flat = _sc_gather(emb_v, w_first, idx2)
    e2 = e_raw.reshape(B, F * D)
    wf = wf_flat.reshape(B, F)
    b3f = (b3 + bias).reshape(1, 1)
    R = jnp.asarray(_R_np)
    S = jnp.asarray(_S_np)
    return _fm_mlp(e2, feat_vals, wf, W1, b1.reshape(1, H1), W2,
                   b2.reshape(1, H2), W3, b3f, R, S)

# --- scband reference (transcript-rebuilt; emitter-appended) ---
"""Pipeline reference for scband-deep-fm-72619307041206 (READ-ONLY COPY).

The authoritative reference and input builder live on the scoring server;
editing this copy changes nothing except your own understanding.
"""

import jax, jax.numpy as jnp
import numpy as np

B, F, V, D = 16384, 26, 1000000, 16
H1, H2 = 256, 128


def setup_inputs(seed: int = 0) -> dict:
    key = jax.random.key(seed)
    ks = jax.random.split(key, 12)
    feat_ids = jax.random.randint(ks[0], (B, F), 0, V, dtype=jnp.int32)
    feat_vals = jax.random.uniform(ks[1], (B, F), dtype=jnp.float32)
    # learned parameters sized per args
    w_first = jax.random.normal(ks[2], (V,), dtype=jnp.float32) * 0.01
    emb_v = jax.random.normal(ks[3], (V, D), dtype=jnp.float32) * 0.01
    W1 = jax.random.normal(ks[4], (F * D, H1), dtype=jnp.float32) * (1.0 / np.sqrt(F * D))
    b1 = jnp.zeros((H1,), dtype=jnp.float32)
    W2 = jax.random.normal(ks[5], (H1, H2), dtype=jnp.float32) * (1.0 / np.sqrt(H1))
    b2 = jnp.zeros((H2,), dtype=jnp.float32)
    W3 = jax.random.normal(ks[6], (H2, 1), dtype=jnp.float32) * (1.0 / np.sqrt(H2))
    b3 = jnp.zeros((1,), dtype=jnp.float32)
    bias = jnp.zeros((), dtype=jnp.float32)
    return {"feat_ids": feat_ids, "feat_vals": feat_vals, "w_first": w_first,
            "emb_v": emb_v, "W1": W1, "b1": b1, "W2": W2, "b2": b2,
            "W3": W3, "b3": b3, "bias": bias}


def reference(feat_ids, feat_vals, w_first, emb_v, W1, b1, W2, b2, W3, b3, bias):
    # first-order term: sum_f w[id_f] * val_f
    first = jnp.sum(jnp.take(w_first, feat_ids, axis=0) * feat_vals, axis=1)
    # embedding lookup (gather) scaled by feature values
    e = jnp.take(emb_v, feat_ids, axis=0) * feat_vals[:, :, None]  # [B, F, D]
    # FM second-order: 0.5 * sum_d ((sum_f e)^2 - sum_f e^2)
    sum_e = jnp.sum(e, axis=1)
    sum_sq = jnp.sum(e * e, axis=1)
    second = 0.5 * jnp.sum(sum_e * sum_e - sum_sq, axis=1)
    # deep component over flattened embeddings
    deep_in = e.reshape(e.shape[0], -1)
    h = jax.nn.relu(deep_in @ W1 + b1)
    h = jax.nn.relu(h @ W2 + b2)
    deep = (h @ W3 + b3)[:, 0]
    logits = first + second + deep + bias
    return jax.nn.sigmoid(logits)

if __name__ == "__main__":
    import jax
    _d = setup_inputs()
    print(jax.jit(kernel)(*tuple(_d.values())))

</pallas_src>

<mosaic_0001>
#map = affine_map<(d0, d1) -> (0, 0)>
#map1 = affine_map<(d0, d1) -> (0)>
module attributes {stable_mosaic.version = 14 : i64} {
  func.func @k(%arg0: i32, %arg1: i32, %arg2: memref<1000000x16xf32, #tpu.memory_space<hbm>>, %arg3: memref<1000000xf32, #tpu.memory_space<hbm>>, %arg4: memref<3328x128xi32, #tpu.memory_space<hbm>>, %arg5: memref<425984x16xf32, #tpu.memory_space<hbm>>, %arg6: memref<425984xf32, #tpu.memory_space<hbm>>, %arg7: memref<8x128xi32, #tpu.memory_space<vmem>>, %arg8: memref<1024x16xf32, #tpu.memory_space<vmem>>, %arg9: memref<1024xf32, #tpu.memory_space<vmem>>, %arg10: memref<!tpu.dma_semaphore, #tpu.memory_space<semaphore_mem>>, %arg11: memref<!tpu.dma_semaphore, #tpu.memory_space<semaphore_mem>>) attributes {dimension_semantics = [#tpu.dimension_semantics<core_parallel>, #tpu.dimension_semantics<subcore_parallel>], iteration_bounds = array<i64: 2, 16>, scalar_prefetch = 0 : i64, scratch_operands = 5 : i64, tpu.core_type = #tpu.core_type<sc_vector_subcore>, window_params = [{transform_indices = #map}, {transform_indices = #map1}, {transform_indices = #map}, {transform_indices = #map}, {transform_indices = #map1}]} {
    %mul3A = arith.constant 2 : i32
    %mul3A_0 = arith.muli %arg1, %mul3A : i32
    %add3A = arith.addi %mul3A_0, %arg0 : i32
    %mul3A_1 = arith.constant 104 : i32
    %mul3A_2 = arith.muli %add3A, %mul3A_1 : i32
    %scan3A = arith.constant 0 : i32
    %scan3A_3 = arith.constant 13 : i32
    %scan3A_4 = arith.addi %scan3A, %scan3A_3 : i32
    %scan3A_5 = arith.constant 1 : i32
    scf.for %scan3A_7 = %scan3A to %scan3A_4 step %scan3A_5  : i32 {
      %mul3A_8 = arith.constant 1 : i32
      %mul3A_9 = arith.muli %scan3A_7, %mul3A_8 : i32
      %add3A_10 = arith.constant 0 : i32
      %add3A_11 = arith.addi %add3A_10, %mul3A_9 : i32
      %mul3A_12 = arith.constant 8 : i32
      %mul3A_13 = arith.muli %add3A_11, %mul3A_12 : i32
      %add3A_14 = arith.addi %mul3A_2, %mul3A_13 : i32
      "tpu.region"() ({
        %run_scoped3A = tpu.sem_alloc : memref<!tpu.dma_semaphore, #tpu.memory_space<semaphore_mem>>
        %dma_start3A_303 = arith.constant 0 : i32
        %dma_start3A_304 = tpu.memref_slice %arg4[%add3A_14, %dma_start3A_303] : memref<3328x128xi32, #tpu.memory_space<hbm>> -> memref<8x128xi32, #tpu.memory_space<hbm>>
        %dma_start3A_305 = arith.constant 0 : i32
        %dma_start3A_306 = tpu.memref_slice %arg4[%add3A_14, %dma_start3A_305] : memref<3328x128xi32, #tpu.memory_space<hbm>> -> memref<8x128xi32, #tpu.memory_space<hbm>>
        tpu.enqueue_dma source(%dma_start3A_306 : memref<8x128xi32, #tpu.memory_space<hbm>>) target(%arg7 : memref<8x128xi32, #tpu.memory_space<vmem>>) target_semaphore(%run_scoped3A : memref<!tpu.dma_semaphore, #tpu.memory_space<semaphore_mem>>)
        %dma_wait3A_307 = arith.constant 0 : i32
        %dma_wait3A_308 = tpu.memref_slice %arg4[%add3A_14, %dma_wait3A_307] : memref<3328x128xi32, #tpu.memory_space<hbm>> -> memref<8x128xi32, #tpu.memory_space<hbm>>
        %dma_wait3A_309 = arith.constant 0 : i32
        %dma_wait3A_310 = tpu.memref_slice %arg4[%add3A_14, %dma_wait3A_309] : memref<3328x128xi32, #tpu.memory_space<hbm>> -> memref<8x128xi32, #tpu.memory_space<hbm>>
        tpu.wait_dma2 semaphore(%run_scoped3A : memref<!tpu.dma_semaphore, #tpu.memory_space<semaphore_mem>>) src(%dma_wait3A_310 : memref<8x128xi32, #tpu.memory_space<hbm>>) dst(%arg7 : memref<8x128xi32, #tpu.memory_space<vmem>>)
        tpu.yield
      }) : () -> ()
      %dma_start3A = arith.constant 0 : i32
      %dma_start3A_15 = arith.constant 0 : i32
      %dma_start3A_16 = arith.constant 0 : i32
      %dma_start3A_17 = tpu.memref_slice %arg8[%dma_start3A_15, %dma_start3A_16] : memref<1024x16xf32, #tpu.memory_space<vmem>> -> memref<128x16xf32, #tpu.memory_space<vmem>>
      %dma_start3A_18 = arith.constant 0 : i32
      %dma_start3A_19 = tpu.memref_slice %arg7[%dma_start3A, %dma_start3A_18] : memref<8x128xi32, #tpu.memory_space<vmem>> -> memref<1x128xi32, #tpu.memory_space<vmem>>
      %dma_start3A_20 = tpu.memref_squeeze %dma_start3A_19 : memref<1x128xi32, #tpu.memory_space<vmem>> -> memref<128xi32, #tpu.memory_space<vmem>>
      %dma_start3A_21 = arith.constant 0 : i32
      %dma_start3A_22 = arith.constant 0 : i32
      %dma_start3A_23 = tpu.memref_slice %arg2[%dma_start3A_21, %dma_start3A_22] : memref<1000000x16xf32, #tpu.memory_space<hbm>> -> memref<1000000x16xf32, #tpu.memory_space<hbm>>
      tpu.enqueue_indirect_dma source(%dma_start3A_23 : memref<1000000x16xf32, #tpu.memory_space<hbm>>) target(%dma_start3A_17 : memref<128x16xf32, #tpu.memory_space<vmem>>) offsets(%dma_start3A_20 : memref<128xi32, #tpu.memory_space<vmem>>) semaphore(%arg10 : memref<!tpu.dma_semaphore, #tpu.memory_space<semaphore_mem>>)
      %dma_start3A_24 = arith.constant 0 : i32
      %dma_start3A_25 = arith.constant 0 : i32
      %dma_start3A_26 = tpu.memref_slice %arg9[%dma_start3A_25] : memref<1024xf32, #tpu.memory_space<vmem>> -> memref<128xf32, #tpu.memory_space<vmem>>
      %dma_start3A_27 = arith.constant 0 : i32
      %dma_start3A_28 = tpu.memref_slice %arg7[%dma_start3A_24, %dma_start3A_27] : memref<8x128xi32, #tpu.memory_space<vmem>> -> memref<1x128xi32, #tpu.memory_space<vmem>>
      %dma_start3A_29 = tpu.memref_squeeze %dma_start3A_28 : memref<1x128xi32, #tpu.memory_space<vmem>> -> memref<128xi32, #tpu.memory_space<vmem>>
      %dma_start3A_30 = arith.constant 0 : i32
      %dma_start3A_31 = tpu.memref_slice %arg3[%dma_start3A_30] : memref<1000000xf32, #tpu.memory_space<hbm>> -> memref<1000000xf32, #tpu.memory_space<hbm>>
      tpu.enqueue_indirect_dma source(%dma_start3A_31 : memref<1000000xf32, #tpu.memory_space<hbm>>) target(%dma_start3A_26 : memref<128xf32, #tpu.memory_space<vmem>>) offsets(%dma_start3A_29 : memref<128xi32, #tpu.memory_space<vmem>>) semaphore(%arg11 : memref<!tpu.dma_semaphore, #tpu.memory_space<semaphore_mem>>)
      %dma_start3A_32 = arith.constant 1 : i32
      %dma_start3A_33 = arith.constant 128 : i32
      %dma_start3A_34 = arith.constant 0 : i32
      %dma_start3A_35 = tpu.memref_slice %arg8[%dma_start3A_33, %dma_start3A_34] : memref<1024x16xf32, #tpu.memory_space<vmem>> -> memref<128x16xf32, #tpu.memory_space<vmem>>
      %dma_start3A_36 = arith.constant 0 : i32
      %dma_start3A_37 = tpu.memref_slice %arg7[%dma_start3A_32, %dma_start3A_36] : memref<8x128xi32, #tpu.memory_space<vmem>> -> memref<1x128xi32, #tpu.memory_space<vmem>>
      %dma_start3A_38 = tpu.memref_squeeze %dma_start3A_37 : memref<1x128xi32, #tpu.memory_space<vmem>> -> memref<128xi32, #tpu.memory_space<vmem>>
      %dma_start3A_39 = arith.constant 0 : i32
      %dma_start3A_40 = arith.constant 0 : i32
      %dma_start3A_41 = tpu.memref_slice %arg2[%dma_start3A_39, %dma_start3A_40] : memref<1000000x16xf32, #tpu.memory_space<hbm>> -> memref<1000000x16xf32, #tpu.memory_space<hbm>>
      tpu.enqueue_indirect_dma source(%dma_start3A_41 : memref<1000000x16xf32, #tpu.memory_space<hbm>>) target(%dma_start3A_35 : memref<128x16xf32, #tpu.memory_space<vmem>>) offsets(%dma_start3A_38 : memref<128xi32, #tpu.memory_space<vmem>>) semaphore(%arg10 : memref<!tpu.dma_semaphore, #tpu.memory_space<semaphore_mem>>)
      %dma_start3A_42 = arith.constant 1 : i32
      %dma_start3A_43 = arith.constant 128 : i32
      %dma_start3A_44 = tpu.memref_slice %arg9[%dma_start3A_43] : memref<1024xf32, #tpu.memory_space<vmem>> -> memref<128xf32, #tpu.memory_space<vmem>>
      %dma_start3A_45 = arith.constant 0 : i32
      %dma_start3A_46 = tpu.memref_slice %arg7[%dma_start3A_42, %dma_start3A_45] : memref<8x128xi32, #tpu.memory_space<vmem>> -> memref<1x128xi32, #tpu.memory_space<vmem>>
      %dma_start3A_47 = tpu.memref_squeeze %dma_start3A_46 : memref<1x128xi32, #tpu.memory_space<vmem>> -> memref<128xi32, #tpu.memory_space<vmem>>
      %dma_start3A_48 = arith.constant 0 : i32
      %dma_start3A_49 = tpu.memref_slice %arg3[%dma_start3A_48] : memref<1000000xf32, #tpu.memory_space<hbm>> -> memref<1000000xf32, #tpu.memory_space<hbm>>
      tpu.enqueue_indirect_dma source(%dma_start3A_49 : memref<1000000xf32, #tpu.memory_space<hbm>>) target(%dma_start3A_44 : memref<128xf32, #tpu.memory_space<vmem>>) offsets(%dma_start3A_47 : memref<128xi32, #tpu.memory_space<vmem>>) semaphore(%arg11 : memref<!tpu.dma_semaphore, #tpu.memory_space<semaphore_mem>>)
      %dma_start3A_50 = arith.constant 2 : i32
      %dma_start3A_51 = arith.constant 256 : i32
      %dma_start3A_52 = arith.constant 0 : i32
      %dma_start3A_53 = tpu.memref_slice %arg8[%dma_start3A_51, %dma_start3A_52] : memref<1024x16xf32, #tpu.memory_space<vmem>> -> memref<128x16xf32, #tpu.memory_space<vmem>>
      %dma_start3A_54 = arith.constant 0 : i32
      %dma_start3A_55 = tpu.memref_slice %arg7[%dma_start3A_50, %dma_start3A_54] : memref<8x128xi32, #tpu.memory_space<vmem>> -> memref<1x128xi32, #tpu.memory_space<vmem>>
      %dma_start3A_56 = tpu.memref_squeeze %dma_start3A_55 : memref<1x128xi32, #tpu.memory_space<vmem>> -> memref<128xi32, #tpu.memory_space<vmem>>
      %dma_start3A_57 = arith.constant 0 : i32
      %dma_start3A_58 = arith.constant 0 : i32
      %dma_start3A_59 = tpu.memref_slice %arg2[%dma_start3A_57, %dma_start3A_58] : memref<1000000x16xf32, #tpu.memory_space<hbm>> -> memref<1000000x16xf32, #tpu.memory_space<hbm>>
      tpu.enqueue_indirect_dma source(%dma_start3A_59 : memref<1000000x16xf32, #tpu.memory_space<hbm>>) target(%dma_start3A_53 : memref<128x16xf32, #tpu.memory_space<vmem>>) offsets(%dma_start3A_56 : memref<128xi32, #tpu.memory_space<vmem>>) semaphore(%arg10 : memref<!tpu.dma_semaphore, #tpu.memory_space<semaphore_mem>>)
      %dma_start3A_60 = arith.constant 2 : i32
      %dma_start3A_61 = arith.constant 256 : i32
      %dma_start3A_62 = tpu.memref_slice %arg9[%dma_start3A_61] : memref<1024xf32, #tpu.memory_space<vmem>> -> memref<128xf32, #tpu.memory_space<vmem>>
      %dma_start3A_63 = arith.constant 0 : i32
      %dma_start3A_64 = tpu.memref_slice %arg7[%dma_start3A_60, %dma_start3A_63] : memref<8x128xi32, #tpu.memory_space<vmem>> -> memref<1x128xi32, #tpu.memory_space<vmem>>
      %dma_start3A_65 = tpu.memref_squeeze %dma_start3A_64 : memref<1x128xi32, #tpu.memory_space<vmem>> -> memref<128xi32, #tpu.memory_space<vmem>>
      %dma_start3A_66 = arith.constant 0 : i32
      %dma_start3A_67 = tpu.memref_slice %arg3[%dma_start3A_66] : memref<1000000xf32, #tpu.memory_space<hbm>> -> memref<1000000xf32, #tpu.memory_space<hbm>>
      tpu.enqueue_indirect_dma source(%dma_start3A_67 : memref<1000000xf32, #tpu.memory_space<hbm>>) target(%dma_start3A_62 : memref<128xf32, #tpu.memory_space<vmem>>) offsets(%dma_start3A_65 : memref<128xi32, #tpu.memory_space<vmem>>) semaphore(%arg11 : memref<!tpu.dma_semaphore, #tpu.memory_space<semaphore_mem>>)
      %dma_start3A_68 = arith.constant 3 : i32
      %dma_start3A_69 = arith.constant 384 : i32
      %dma_start3A_70 = arith.constant 0 : i32
      %dma_start3A_71 = tpu.memref_slice %arg8[%dma_start3A_69, %dma_start3A_70] : memref<1024x16xf32, #tpu.memory_space<vmem>> -> memref<128x16xf32, #tpu.memory_space<vmem>>
      %dma_start3A_72 = arith.constant 0 : i32
      %dma_start3A_73 = tpu.memref_slice %arg7[%dma_start3A_68, %dma_start3A_72] : memref<8x128xi32, #tpu.memory_space<vmem>> -> memref<1x128xi32, #tpu.memory_space<vmem>>
      %dma_start3A_74 = tpu.memref_squeeze %dma_start3A_73 : memref<1x128xi32, #tpu.memory_space<vmem>> -> memref<128xi32, #tpu.memory_space<vmem>>
      %dma_start3A_75 = arith.constant 0 : i32
      %dma_start3A_76 = arith.constant 0 : i32
      %dma_start3A_77 = tpu.memref_slice %arg2[%dma_start3A_75, %dma_start3A_76] : memref<1000000x16xf32, #tpu.memory_space<hbm>> -> memref<1000000x16xf32, #tpu.memory_space<hbm>>
      tpu.enqueue_indirect_dma source(%dma_start3A_77 : memref<1000000x16xf32, #tpu.memory_space<hbm>>) target(%dma_start3A_71 : memref<128x16xf32, #tpu.memory_space<vmem>>) offsets(%dma_start3A_74 : memref<128xi32, #tpu.memory_space<vmem>>) semaphore(%arg10 : memref<!tpu.dma_semaphore, #tpu.memory_space<semaphore_mem>>)
      %dma_start3A_78 = arith.constant 3 : i32
      %dma_start3A_79 = arith.constant 384 : i32
      %dma_start3A_80 = tpu.memref_slice %arg9[%dma_start3A_79] : memref<1024xf32, #tpu.memory_space<vmem>> -> memref<128xf32, #tpu.memory_space<vmem>>
      %dma_start3A_81 = arith.constant 0 : i32
      %dma_start3A_82 = tpu.memref_slice %arg7[%dma_start3A_78, %dma_start3A_81] : memref<8x128xi32, #tpu.memory_space<vmem>> -> memref<1x128xi32, #tpu.memory_space<vmem>>
      %dma_start3A_83 = tpu.memref_squeeze %dma_start3A_82 : memref<1x128xi32, #tpu.memory_space<vmem>> -> memref<128xi32, #tpu.memory_space<vmem>>
      %dma_start3A_84 = arith.constant 0 : i32
      %dma_start3A_85 = tpu.memref_slice %arg3[%dma_start3A_84] : memref<1000000xf32, #tpu.memory_space<hbm>> -> memref<1000000xf32, #tpu.memory_space<hbm>>
      tpu.enqueue_indirect_dma source(%dma_start3A_85 : memref<1000000xf32, #tpu.memory_space<hbm>>) target(%dma_start3A_80 : memref<128xf32, #tpu.memory_space<vmem>>) offsets(%dma_start3A_83 : memref<128xi32, #tpu.memory_space<vmem>>) semaphore(%arg11 : memref<!tpu.dma_semaphore, #tpu.memory_space<semaphore_mem>>)
      %dma_start3A_86 = arith.constant 4 : i32
      %dma_start3A_87 = arith.constant 512 : i32
      %dma_start3A_88 = arith.constant 0 : i32
      %dma_start3A_89 = tpu.memref_slice %arg8[%dma_start3A_87, %dma_start3A_88] : memref<1024x16xf32, #tpu.memory_space<vmem>> -> memref<128x16xf32, #tpu.memory_space<vmem>>
      %dma_start3A_90 = arith.constant 0 : i32
      %dma_start3A_91 = tpu.memref_slice %arg7[%dma_start3A_86, %dma_start3A_90] : memref<8x128xi32, #tpu.memory_space<vmem>> -> memref<1x128xi32, #tpu.memory_space<vmem>>
      %dma_start3A_92 = tpu.memref_squeeze %dma_start3A_91 : memref<1x128xi32, #tpu.memory_space<vmem>> -> memref<128xi32, #tpu.memory_space<vmem>>
      %dma_start3A_93 = arith.constant 0 : i32
      %dma_start3A_94 = arith.constant 0 : i32
      %dma_start3A_95 = tpu.memref_slice %arg2[%dma_start3A_93, %dma_start3A_94] : memref<1000000x16xf32, #tpu.memory_space<hbm>> -> memref<1000000x16xf32, #tpu.memory_space<hbm>>
      tpu.enqueue_indirect_dma source(%dma_start3A_95 : memref<1000000x16xf32, #tpu.memory_space<hbm>>) target(%dma_start3A_89 : memref<128x16xf32, #tpu.memory_space<vmem>>) offsets(%dma_start3A_92 : memref<128xi32, #tpu.memory_space<vmem>>) semaphore(%arg10 : memref<!tpu.dma_semaphore, #tpu.memory_space<semaphore_mem>>)
      %dma_start3A_96 = arith.constant 4 : i32
      %dma_start3A_97 = arith.constant 512 : i32
      %dma_start3A_98 = tpu.memref_slice %arg9[%dma_start3A_97] : memref<1024xf32, #tpu.memory_space<vmem>> -> memref<128xf32, #tpu.memory_space<vmem>>
      %dma_start3A_99 = arith.constant 0 : i32
      %dma_start3A_100 = tpu.memref_slice %arg7[%dma_start3A_96, %dma_start3A_99] : memref<8x128xi32, #tpu.memory_space<vmem>> -> memref<1x128xi32, #tpu.memory_space<vmem>>
      %dma_start3A_101 = tpu.memref_squeeze %dma_start3A_100 : memref<1x128xi32, #tpu.memory_space<vmem>> -> memref<128xi32, #tpu.memory_space<vmem>>
      %dma_start3A_102 = arith.constant 0 : i32
      %dma_start3A_103 = tpu.memref_slice %arg3[%dma_start3A_102] : memref<1000000xf32, #tpu.memory_space<hbm>> -> memref<1000000xf32, #tpu.memory_space<hbm>>
      tpu.enqueue_indirect_dma source(%dma_start3A_103 : memref<1000000xf32, #tpu.memory_space<hbm>>) target(%dma_start3A_98 : memref<128xf32, #tpu.memory_space<vmem>>) offsets(%dma_start3A_101 : memref<128xi32, #tpu.memory_space<vmem>>) semaphore(%arg11 : memref<!tpu.dma_semaphore, #tpu.memory_space<semaphore_mem>>)
      %dma_start3A_104 = arith.constant 5 : i32
      %dma_start3A_105 = arith.constant 640 : i32
      %dma_start3A_106 = arith.constant 0 : i32
      %dma_start3A_107 = tpu.memref_slice %arg8[%dma_start3A_105, %dma_start3A_106] : memref<1024x16xf32, #tpu.memory_space<vmem>> -> memref<128x16xf32, #tpu.memory_space<vmem>>
      %dma_start3A_108 = arith.constant 0 : i32
      %dma_start3A_109 = tpu.memref_slice %arg7[%dma_start3A_104, %dma_start3A_108] : memref<8x128xi32, #tpu.memory_space<vmem>> -> memref<1x128xi32, #tpu.memory_space<vmem>>
      %dma_start3A_110 = tpu.memref_squeeze %dma_start3A_109 : memref<1x128xi32, #tpu.memory_space<vmem>> -> memref<128xi32, #tpu.memory_space<vmem>>
      %dma_start3A_111 = arith.constant 0 : i32
      %dma_start3A_112 = arith.constant 0 : i32
      %dma_start3A_113 = tpu.memref_slice %arg2[%dma_start3A_111, %dma_start3A_112] : memref<1000000x16xf32, #tpu.memory_space<hbm>> -> memref<1000000x16xf32, #tpu.memory_space<hbm>>
      tpu.enqueue_indirect_dma source(%dma_start3A_113 : memref<1000000x16xf32, #tpu.memory_space<hbm>>) target(%dma_start3A_107 : memref<128x16xf32, #tpu.memory_space<vmem>>) offsets(%dma_start3A_110 : memref<128xi32, #tpu.memory_space<vmem>>) semaphore(%arg10 : memref<!tpu.dma_semaphore, #tpu.memory_space<semaphore_mem>>)
      %dma_start3A_114 = arith.constant 5 : i32
      %dma_start3A_115 = arith.constant 640 : i32
      %dma_start3A_116 = tpu.memref_slice %arg9[%dma_start3A_115] : memref<1024xf32, #tpu.memory_space<vmem>> -> memref<128xf32, #tpu.memory_space<vmem>>
      %dma_start3A_117 = arith.constant 0 : i32
      %dma_start3A_118 = tpu.memref_slice %arg7[%dma_start3A_114, %dma_start3A_117] : memref<8x128xi32, #tpu.memory_space<vmem>> -> memref<1x128xi32, #tpu.memory_space<vmem>>
      %dma_start3A_119 = tpu.memref_squeeze %dma_start3A_118 : memref<1x128xi32, #tpu.memory_space<vmem>> -> memref<128xi32, #tpu.memory_space<vmem>>
      %dma_start3A_120 = arith.constant 0 : i32
      %dma_start3A_121 = tpu.memref_slice %arg3[%dma_start3A_120] : memref<1000000xf32, #tpu.memory_space<hbm>> -> memref<1000000xf32, #tpu.memory_space<hbm>>
      tpu.enqueue_indirect_dma source(%dma_start3A_121 : memref<1000000xf32, #tpu.memory_space<hbm>>) target(%dma_start3A_116 : memref<128xf32, #tpu.memory_space<vmem>>) offsets(%dma_start3A_119 : memref<128xi32, #tpu.memory_space<vmem>>) semaphore(%arg11 : memref<!tpu.dma_semaphore, #tpu.memory_space<semaphore_mem>>)
      %dma_start3A_122 = arith.constant 6 : i32
      %dma_start3A_123 = arith.constant 768 : i32
      %dma_start3A_124 = arith.constant 0 : i32
      %dma_start3A_125 = tpu.memref_slice %arg8[%dma_start3A_123, %dma_start3A_124] : memref<1024x16xf32, #tpu.memory_space<vmem>> -> memref<128x16xf32, #tpu.memory_space<vmem>>
      %dma_start3A_126 = arith.constant 0 : i32
      %dma_start3A_127 = tpu.memref_slice %arg7[%dma_start3A_122, %dma_start3A_126] : memref<8x128xi32, #tpu.memory_space<vmem>> -> memref<1x128xi32, #tpu.memory_space<vmem>>
      %dma_start3A_128 = tpu.memref_squeeze %dma_start3A_127 : memref<1x128xi32, #tpu.memory_space<vmem>> -> memref<128xi32, #tpu.memory_space<vmem>>
      %dma_start3A_129 = arith.constant 0 : i32
      %dma_start3A_130 = arith.constant 0 : i32
      %dma_start3A_131 = tpu.memref_slice %arg2[%dma_start3A_129, %dma_start3A_130] : memref<1000000x16xf32, #tpu.memory_space<hbm>> -> memref<1000000x16xf32, #tpu.memory_space<hbm>>
      tpu.enqueue_indirect_dma source(%dma_start3A_131 : memref<1000000x16xf32, #tpu.memory_space<hbm>>) target(%dma_start3A_125 : memref<128x16xf32, #tpu.memory_space<vmem>>) offsets(%dma_start3A_128 : memref<128xi32, #tpu.memory_space<vmem>>) semaphore(%arg10 : memref<!tpu.dma_semaphore, #tpu.memory_space<semaphore_mem>>)
      %dma_start3A_132 = arith.constant 6 : i32
      %dma_start3A_133 = arith.constant 768 : i32
      %dma_start3A_134 = tpu.memref_slice %arg9[%dma_start3A_133] : memref<1024xf32, #tpu.memory_space<vmem>> -> memref<128xf32, #tpu.memory_space<vmem>>
      %dma_start3A_135 = arith.constant 0 : i32
      %dma_start3A_136 = tpu.memref_slice %arg7[%dma_start3A_132, %dma_start3A_135] : memref<8x128xi32, #tpu.memory_space<vmem>> -> memref<1x128xi32, #tpu.memory_space<vmem>>
      %dma_start3A_137 = tpu.memref_squeeze %dma_start3A_136 : memref<1x128xi32, #tpu.memory_space<vmem>> -> memref<128xi32, #tpu.memory_space<vmem>>
      %dma_start3A_138 = arith.constant 0 : i32
      %dma_start3A_139 = tpu.memref_slice %arg3[%dma_start3A_138] : memref<1000000xf32, #tpu.memory_space<hbm>> -> memref<1000000xf32, #tpu.memory_space<hbm>>
      tpu.enqueue_indirect_dma source(%dma_start3A_139 : memref<1000000xf32, #tpu.memory_space<hbm>>) target(%dma_start3A_134 : memref<128xf32, #tpu.memory_space<vmem>>) offsets(%dma_start3A_137 : memref<128xi32, #tpu.memory_space<vmem>>) semaphore(%arg11 : memref<!tpu.dma_semaphore, #tpu.memory_space<semaphore_mem>>)
      %dma_start3A_140 = arith.constant 7 : i32
      %dma_start3A_141 = arith.constant 896 : i32
      %dma_start3A_142 = arith.constant 0 : i32
      %dma_start3A_143 = tpu.memref_slice %arg8[%dma_start3A_141, %dma_start3A_142] : memref<1024x16xf32, #tpu.memory_space<vmem>> -> memref<128x16xf32, #tpu.memory_space<vmem>>
      %dma_start3A_144 = arith.constant 0 : i32
      %dma_start3A_145 = tpu.memref_slice %arg7[%dma_start3A_140, %dma_start3A_144] : memref<8x128xi32, #tpu.memory_space<vmem>> -> memref<1x128xi32, #tpu.memory_space<vmem>>
      %dma_start3A_146 = tpu.memref_squeeze %dma_start3A_145 : memref<1x128xi32, #tpu.memory_space<vmem>> -> memref<128xi32, #tpu.memory_space<vmem>>
      %dma_start3A_147 = arith.constant 0 : i32
      %dma_start3A_148 = arith.constant 0 : i32
      %dma_start3A_149 = tpu.memref_slice %arg2[%dma_start3A_147, %dma_start3A_148] : memref<1000000x16xf32, #tpu.memory_space<hbm>> -> memref<1000000x16xf32, #tpu.memory_space<hbm>>
      tpu.enqueue_indirect_dma source(%dma_start3A_149 : memref<1000000x16xf32, #tpu.memory_space<hbm>>) target(%dma_start3A_143 : memref<128x16xf32, #tpu.memory_space<vmem>>) offsets(%dma_start3A_146 : memref<128xi32, #tpu.memory_space<vmem>>) semaphore(%arg10 : memref<!tpu.dma_semaphore, #tpu.memory_space<semaphore_mem>>)
      %dma_start3A_150 = arith.constant 7 : i32
      %dma_start3A_151 = arith.constant 896 : i32
      %dma_start3A_152 = tpu.memref_slice %arg9[%dma_start3A_151] : memref<1024xf32, #tpu.memory_space<vmem>> -> memref<128xf32, #tpu.memory_space<vmem>>
      %dma_start3A_153 = arith.constant 0 : i32
      %dma_start3A_154 = tpu.memref_slice %arg7[%dma_start3A_150, %dma_start3A_153] : memref<8x128xi32, #tpu.memory_space<vmem>> -> memref<1x128xi32, #tpu.memory_space<vmem>>
      %dma_start3A_155 = tpu.memref_squeeze %dma_start3A_154 : memref<1x128xi32, #tpu.memory_space<vmem>> -> memref<128xi32, #tpu.memory_space<vmem>>
      %dma_start3A_156 = arith.constant 0 : i32
      %dma_start3A_157 = tpu.memref_slice %arg3[%dma_start3A_156] : memref<1000000xf32, #tpu.memory_space<hbm>> -> memref<1000000xf32, #tpu.memory_space<hbm>>
      tpu.enqueue_indirect_dma source(%dma_start3A_157 : memref<1000000xf32, #tpu.memory_space<hbm>>) target(%dma_start3A_152 : memref<128xf32, #tpu.memory_space<vmem>>) offsets(%dma_start3A_155 : memref<128xi32, #tpu.memory_space<vmem>>) semaphore(%arg11 : memref<!tpu.dma_semaphore, #tpu.memory_space<semaphore_mem>>)
      %dma_wait3A = arith.constant 0 : i32
      %dma_wait3A_158 = arith.constant 0 : i32
      %dma_wait3A_159 = arith.constant 0 : i32
      %dma_wait3A_160 = tpu.memref_slice %arg8[%dma_wait3A_158, %dma_wait3A_159] : memref<1024x16xf32, #tpu.memory_space<vmem>> -> memref<128x16xf32, #tpu.memory_space<vmem>>
      %dma_wait3A_161 = arith.constant 0 : i32
      %dma_wait3A_162 = tpu.memref_slice %arg7[%dma_wait3A, %dma_wait3A_161] : memref<8x128xi32, #tpu.memory_space<vmem>> -> memref<1x128xi32, #tpu.memory_space<vmem>>
      %dma_wait3A_163 = tpu.memref_squeeze %dma_wait3A_162 : memref<1x128xi32, #tpu.memory_space<vmem>> -> memref<128xi32, #tpu.memory_space<vmem>>
      %dma_wait3A_164 = arith.constant 0 : i32
      %dma_wait3A_165 = arith.constant 0 : i32
      %dma_wait3A_166 = tpu.memref_slice %arg2[%dma_wait3A_164, %dma_wait3A_165] : memref<1000000x16xf32, #tpu.memory_space<hbm>> -> memref<1000000x16xf32, #tpu.memory_space<hbm>>
      tpu.wait_indirect_dma semaphore(%arg10 : memref<!tpu.dma_semaphore, #tpu.memory_space<semaphore_mem>>) src(%dma_wait3A_166 : memref<1000000x16xf32, #tpu.memory_space<hbm>>) dst(%dma_wait3A_160 : memref<128x16xf32, #tpu.memory_space<vmem>>)
      %dma_wait3A_167 = arith.constant 0 : i32
      %dma_wait3A_168 = arith.constant 0 : i32
      %dma_wait3A_169 = tpu.memref_slice %arg9[%dma_wait3A_168] : memref<1024xf32, #tpu.memory_space<vmem>> -> memref<128xf32, #tpu.memory_space<vmem>>
      %dma_wait3A_170 = arith.constant 0 : i32
      %dma_wait3A_171 = tpu.memref_slice %arg7[%dma_wait3A_167, %dma_wait3A_170] : memref<8x128xi32, #tpu.memory_space<vmem>> -> memref<1x128xi32, #tpu.memory_space<vmem>>
      %dma_wait3A_172 = tpu.memref_squeeze %dma_wait3A_171 : memref<1x128xi32, #tpu.memory_space<vmem>> -> memref<128xi32, #tpu.memory_space<vmem>>
      %dma_wait3A_173 = arith.constant 0 : i32
      %dma_wait3A_174 = tpu.memref_slice %arg3[%dma_wait3A_173] : memref<1000000xf32, #tpu.memory_space<hbm>> -> memref<1000000xf32, #tpu.memory_space<hbm>>
      tpu.wait_indirect_dma semaphore(%arg11 : memref<!tpu.dma_semaphore, #tpu.memory_space<semaphore_mem>>) src(%dma_wait3A_174 : memref<1000000xf32, #tpu.memory_space<hbm>>) dst(%dma_wait3A_169 : memref<128xf32, #tpu.memory_space<vmem>>)
      %dma_wait3A_175 = arith.constant 1 : i32
      %dma_wait3A_176 = arith.constant 128 : i32
      %dma_wait3A_177 = arith.constant 0 : i32
      %dma_wait3A_178 = tpu.memref_slice %arg8[%dma_wait3A_176, %dma_wait3A_177] : memref<1024x16xf32, #tpu.memory_space<vmem>> -> memref<128x16xf32, #tpu.memory_space<vmem>>
      %dma_wait3A_179 = arith.constant 0 : i32
      %dma_wait3A_180 = tpu.memref_slice %arg7[%dma_wait3A_175, %dma_wait3A_179] : memref<8x128xi32, #tpu.memory_space<vmem>> -> memref<1x128xi32, #tpu.memory_space<vmem>>
      %dma_wait3A_181 = tpu.memref_squeeze %dma_wait3A_180 : memref<1x128xi32, #tpu.memory_space<vmem>> -> memref<128xi32, #tpu.memory_space<vmem>>
      %dma_wait3A_182 = arith.constant 0 : i32
      %dma_wait3A_183 = arith.constant 0 : i32
      %dma_wait3A_184 = tpu.memref_slice %arg2[%dma_wait3A_182, %dma_wait3A_183] : memref<1000000x16xf32, #tpu.memory_space<hbm>> -> memref<1000000x16xf32, #tpu.memory_space<hbm>>
      tpu.wait_indirect_dma semaphore(%arg10 : memref<!tpu.dma_semaphore, #tpu.memory_space<semaphore_mem>>) src(%dma_wait3A_184 : memref<1000000x16xf32, #tpu.memory_space<hbm>>) dst(%dma_wait3A_178 : memref<128x16xf32, #tpu.memory_space<vmem>>)
      %dma_wait3A_185 = arith.constant 1 : i32
      %dma_wait3A_186 = arith.constant 128 : i32
      %dma_wait3A_187 = tpu.memref_slice %arg9[%dma_wait3A_186] : memref<1024xf32, #tpu.memory_space<vmem>> -> memref<128xf32, #tpu.memory_space<vmem>>
      %dma_wait3A_188 = arith.constant 0 : i32
      %dma_wait3A_189 = tpu.memref_slice %arg7[%dma_wait3A_185, %dma_wait3A_188] : memref<8x128xi32, #tpu.memory_space<vmem>> -> memref<1x128xi32, #tpu.memory_space<vmem>>
      %dma_wait3A_190 = tpu.memref_squeeze %dma_wait3A_189 : memref<1x128xi32, #tpu.memory_space<vmem>> -> memref<128xi32, #tpu.memory_space<vmem>>
      %dma_wait3A_191 = arith.constant 0 : i32
      %dma_wait3A_192 = tpu.memref_slice %arg3[%dma_wait3A_191] : memref<1000000xf32, #tpu.memory_space<hbm>> -> memref<1000000xf32, #tpu.memory_space<hbm>>
      tpu.wait_indirect_dma semaphore(%arg11 : memref<!tpu.dma_semaphore, #tpu.memory_space<semaphore_mem>>) src(%dma_wait3A_192 : memref<1000000xf32, #tpu.memory_space<hbm>>) dst(%dma_wait3A_187 : memref<128xf32, #tpu.memory_space<vmem>>)
      %dma_wait3A_193 = arith.constant 2 : i32
      %dma_wait3A_194 = arith.constant 256 : i32
      %dma_wait3A_195 = arith.constant 0 : i32
      %dma_wait3A_196 = tpu.memref_slice %arg8[%dma_wait3A_194, %dma_wait3A_195] : memref<1024x16xf32, #tpu.memory_space<vmem>> -> memref<128x16xf32, #tpu.memory_space<vmem>>
      %dma_wait3A_197 = arith.constant 0 : i32
      %dma_wait3A_198 = tpu.memref_slice %arg7[%dma_wait3A_193, %dma_wait3A_197] : memref<8x128xi32, #tpu.memory_space<vmem>> -> memref<1x128xi32, #tpu.memory_space<vmem>>
      %dma_wait3A_199 = tpu.memref_squeeze %dma_wait3A_198 : memref<1x128xi32, #tpu.memory_space<vmem>> -> memref<128xi32, #tpu.memory_space<vmem>>
      %dma_wait3A_200 = arith.constant 0 : i32
      %dma_wait3A_201 = arith.constant 0 : i32
      %dma_wait3A_202 = tpu.memref_slice %arg2[%dma_wait3A_200, %dma_wait3A_201] : memref<1000000x16xf32, #tpu.memory_space<hbm>> -> memref<1000000x16xf32, #tpu.memory_space<hbm>>
      tpu.wait_indirect_dma semaphore(%arg10 : memref<!tpu.dma_semaphore, #tpu.memory_space<semaphore_mem>>) src(%dma_wait3A_202 : memref<1000000x16xf32, #tpu.memory_space<hbm>>) dst(%dma_wait3A_196 : memref<128x16xf32, #tpu.memory_space<vmem>>)
      %dma_wait3A_203 = arith.constant 2 : i32
      %dma_wait3A_204 = arith.constant 256 : i32
      %dma_wait3A_205 = tpu.memref_slice %arg9[%dma_wait3A_204] : memref<1024xf32, #tpu.memory_space<vmem>> -> memref<128xf32, #tpu.memory_space<vmem>>
      %dma_wait3A_206 = arith.constant 0 : i32
      %dma_wait3A_207 = tpu.memref_slice %arg7[%dma_wait3A_203, %dma_wait3A_206] : memref<8x128xi32, #tpu.memory_space<vmem>> -> memref<1x128xi32, #tpu.memory_space<vmem>>
      %dma_wait3A_208 = tpu.memref_squeeze %dma_wait3A_207 : memref<1x128xi32, #tpu.memory_space<vmem>> -> memref<128xi32, #tpu.memory_space<vmem>>
      %dma_wait3A_209 = arith.constant 0 : i32
      %dma_wait3A_210 = tpu.memref_slice %arg3[%dma_wait3A_209] : memref<1000000xf32, #tpu.memory_space<hbm>> -> memref<1000000xf32, #tpu.memory_space<hbm>>
      tpu.wait_indirect_dma semaphore(%arg11 : memref<!tpu.dma_semaphore, #tpu.memory_space<semaphore_mem>>) src(%dma_wait3A_210 : memref<1000000xf32, #tpu.memory_space<hbm>>) dst(%dma_wait3A_205 : memref<128xf32, #tpu.memory_space<vmem>>)
      %dma_wait3A_211 = arith.constant 3 : i32
      %dma_wait3A_212 = arith.constant 384 : i32
      %dma_wait3A_213 = arith.constant 0 : i32
      %dma_wait3A_214 = tpu.memref_slice %arg8[%dma_wait3A_212, %dma_wait3A_213] : memref<1024x16xf32, #tpu.memory_space<vmem>> -> memref<128x16xf32, #tpu.memory_space<vmem>>
      %dma_wait3A_215 = arith.constant 0 : i32
      %dma_wait3A_216 = tpu.memref_slice %arg7[%dma_wait3A_211, %dma_wait3A_215] : memref<8x128xi32, #tpu.memory_space<vmem>> -> memref<1x128xi32, #tpu.memory_space<vmem>>
      %dma_wait3A_217 = tpu.memref_squeeze %dma_wait3A_216 : memref<1x128xi32, #tpu.memory_space<vmem>> -> memref<128xi32, #tpu.memory_space<vmem>>
      %dma_wait3A_218 = arith.constant 0 : i32
      %dma_wait3A_219 = arith.constant 0 : i32
      %dma_wait3A_220 = tpu.memref_slice %arg2[%dma_wait3A_218, %dma_wait3A_219] : memref<1000000x16xf32, #tpu.memory_space<hbm>> -> memref<1000000x16xf32, #tpu.memory_space<hbm>>
      tpu.wait_indirect_dma semaphore(%arg10 : memref<!tpu.dma_semaphore, #tpu.memory_space<semaphore_mem>>) src(%dma_wait3A_220 : memref<1000000x16xf32, #tpu.memory_space<hbm>>) dst(%dma_wait3A_214 : memref<128x16xf32, #tpu.memory_space<vmem>>)
      %dma_wait3A_221 = arith.constant 3 : i32
      %dma_wait3A_222 = arith.constant 384 : i32
      %dma_wait3A_223 = tpu.memref_slice %arg9[%dma_wait3A_222] : memref<1024xf32, #tpu.memory_space<vmem>> -> memref<128xf32, #tpu.memory_space<vmem>>
      %dma_wait3A_224 = arith.constant 0 : i32
      %dma_wait3A_225 = tpu.memref_slice %arg7[%dma_wait3A_221, %dma_wait3A_224] : memref<8x128xi32, #tpu.memory_space<vmem>> -> memref<1x128xi32, #tpu.memory_space<vmem>>
      %dma_wait3A_226 = tpu.memref_squeeze %dma_wait3A_225 : memref<1x128xi32, #tpu.memory_space<vmem>> -> memref<128xi32, #tpu.memory_space<vmem>>
      %dma_wait3A_227 = arith.constant 0 : i32
      %dma_wait3A_228 = tpu.memref_slice %arg3[%dma_wait3A_227] : memref<1000000xf32, #tpu.memory_space<hbm>> -> memref<1000000xf32, #tpu.memory_space<hbm>>
      tpu.wait_indirect_dma semaphore(%arg11 : memref<!tpu.dma_semaphore, #tpu.memory_space<semaphore_mem>>) src(%dma_wait3A_228 : memref<1000000xf32, #tpu.memory_space<hbm>>) dst(%dma_wait3A_223 : memref<128xf32, #tpu.memory_space<vmem>>)
      %dma_wait3A_229 = arith.constant 4 : i32
      %dma_wait3A_230 = arith.constant 512 : i32
      %dma_wait3A_231 = arith.constant 0 : i32
      %dma_wait3A_232 = tpu.memref_slice %arg8[%dma_wait3A_230, %dma_wait3A_231] : memref<1024x16xf32, #tpu.memory_space<vmem>> -> memref<128x16xf32, #tpu.memory_space<vmem>>
      %dma_wait3A_233 = arith.constant 0 : i32
      %dma_wait3A_234 = tpu.memref_slice %arg7[%dma_wait3A_229, %dma_wait3A_233] : memref<8x128xi32, #tpu.memory_space<vmem>> -> memref<1x128xi32, #tpu.memory_space<vmem>>
      %dma_wait3A_235 = tpu.memref_squeeze %dma_wait3A_234 : memref<1x128xi32, #tpu.memory_space<vmem>> -> memref<128xi32, #tpu.memory_space<vmem>>
      %dma_wait3A_236 = arith.constant 0 : i32
      %dma_wait3A_237 = arith.constant 0 : i32
      %dma_wait3A_238 = tpu.memref_slice %arg2[%dma_wait3A_236, %dma_wait3A_237] : memref<1000000x16xf32, #tpu.memory_space<hbm>> -> memref<1000000x16xf32, #tpu.memory_space<hbm>>
      tpu.wait_indirect_dma semaphore(%arg10 : memref<!tpu.dma_semaphore, #tpu.memory_space<semaphore_mem>>) src(%dma_wait3A_238 : memref<1000000x16xf32, #tpu.memory_space<hbm>>) dst(%dma_wait3A_232 : memref<128x16xf32, #tpu.memory_space<vmem>>)
      %dma_wait3A_239 = arith.constant 4 : i32
      %dma_wait3A_240 = arith.constant 512 : i32
      %dma_wait3A_241 = tpu.memref_slice %arg9[%dma_wait3A_240] : memref<1024xf32, #tpu.memory_space<vmem>> -> memref<128xf32, #tpu.memory_space<vmem>>
      %dma_wait3A_242 = arith.constant 0 : i32
      %dma_wait3A_243 = tpu.memref_slice %arg7[%dma_wait3A_239, %dma_wait3A_242] : memref<8x128xi32, #tpu.memory_space<vmem>> -> memref<1x128xi32, #tpu.memory_space<vmem>>
      %dma_wait3A_244 = tpu.memref_squeeze %dma_wait3A_243 : memref<1x128xi32, #tpu.memory_space<vmem>> -> memref<128xi32, #tpu.memory_space<vmem>>
      %dma_wait3A_245 = arith.constant 0 : i32
      %dma_wait3A_246 = tpu.memref_slice %arg3[%dma_wait3A_245] : memref<1000000xf32, #tpu.memory_space<hbm>> -> memref<1000000xf32, #tpu.memory_space<hbm>>
      tpu.wait_indirect_dma semaphore(%arg11 : memref<!tpu.dma_semaphore, #tpu.memory_space<semaphore_mem>>) src(%dma_wait3A_246 : memref<1000000xf32, #tpu.memory_space<hbm>>) dst(%dma_wait3A_241 : memref<128xf32, #tpu.memory_space<vmem>>)
      %dma_wait3A_247 = arith.constant 5 : i32
      %dma_wait3A_248 = arith.constant 640 : i32
      %dma_wait3A_249 = arith.constant 0 : i32
      %dma_wait3A_250 = tpu.memref_slice %arg8[%dma_wait3A_248, %dma_wait3A_249] : memref<1024x16xf32, #tpu.memory_space<vmem>> -> memref<128x16xf32, #tpu.memory_space<vmem>>
      %dma_wait3A_251 = arith.constant 0 : i32
      %dma_wait3A_252 = tpu.memref_slice %arg7[%dma_wait3A_247, %dma_wait3A_251] : memref<8x128xi32, #tpu.memory_space<vmem>> -> memref<1x128xi32, #tpu.memory_space<vmem>>
      %dma_wait3A_253 = tpu.memref_squeeze %dma_wait3A_252 : memref<1x128xi32, #tpu.memory_space<vmem>> -> memref<128xi32, #tpu.memory_space<vmem>>
      %dma_wait3A_254 = arith.constant 0 : i32
      %dma_wait3A_255 = arith.constant 0 : i32
      %dma_wait3A_256 = tpu.memref_slice %arg2[%dma_wait3A_254, %dma_wait3A_255] : memref<1000000x16xf32, #tpu.memory_space<hbm>> -> memref<1000000x16xf32, #tpu.memory_space<hbm>>
      tpu.wait_indirect_dma semaphore(%arg10 : memref<!tpu.dma_semaphore, #tpu.memory_space<semaphore_mem>>) src(%dma_wait3A_256 : memref<1000000x16xf32, #tpu.memory_space<hbm>>) dst(%dma_wait3A_250 : memref<128x16xf32, #tpu.memory_space<vmem>>)
      %dma_wait3A_257 = arith.constant 5 : i32
      %dma_wait3A_258 = arith.constant 640 : i32
      %dma_wait3A_259 = tpu.memref_slice %arg9[%dma_wait3A_258] : memref<1024xf32, #tpu.memory_space<vmem>> -> memref<128xf32, #tpu.memory_space<vmem>>
      %dma_wait3A_260 = arith.constant 0 : i32
      %dma_wait3A_261 = tpu.memref_slice %arg7[%dma_wait3A_257, %dma_wait3A_260] : memref<8x128xi32, #tpu.memory_space<vmem>> -> memref<1x128xi32, #tpu.memory_space<vmem>>
      %dma_wait3A_262 = tpu.memref_squeeze %dma_wait3A_261 : memref<1x128xi32, #tpu.memory_space<vmem>> -> memref<128xi32, #tpu.memory_space<vmem>>
      %dma_wait3A_263 = arith.constant 0 : i32
      %dma_wait3A_264 = tpu.memref_slice %arg3[%dma_wait3A_263] : memref<1000000xf32, #tpu.memory_space<hbm>> -> memref<1000000xf32, #tpu.memory_space<hbm>>
      tpu.wait_indirect_dma semaphore(%arg11 : memref<!tpu.dma_semaphore, #tpu.memory_space<semaphore_mem>>) src(%dma_wait3A_264 : memref<1000000xf32, #tpu.memory_space<hbm>>) dst(%dma_wait3A_259 : memref<128xf32, #tpu.memory_space<vmem>>)
      %dma_wait3A_265 = arith.constant 6 : i32
      %dma_wait3A_266 = arith.constant 768 : i32
      %dma_wait3A_267 = arith.constant 0 : i32
      %dma_wait3A_268 = tpu.memref_slice %arg8[%dma_wait3A_266, %dma_wait3A_267] : memref<1024x16xf32, #tpu.memory_space<vmem>> -> memref<128x16xf32, #tpu.memory_space<vmem>>
      %dma_wait3A_269 = arith.constant 0 : i32
      %dma_wait3A_270 = tpu.memref_slice %arg7[%dma_wait3A_265, %dma_wait3A_269] : memref<8x128xi32, #tpu.memory_space<vmem>> -> memref<1x128xi32, #tpu.memory_space<vmem>>
      %dma_wait3A_271 = tpu.memref_squeeze %dma_wait3A_270 : memref<1x128xi32, #tpu.memory_space<vmem>> -> memref<128xi32, #tpu.memory_space<vmem>>
      %dma_wait3A_272 = arith.constant 0 : i32
      %dma_wait3A_273 = arith.constant 0 : i32
      %dma_wait3A_274 = tpu.memref_slice %arg2[%dma_wait3A_272, %dma_wait3A_273] : memref<1000000x16xf32, #tpu.memory_space<hbm>> -> memref<1000000x16xf32, #tpu.memory_space<hbm>>
      tpu.wait_indirect_dma semaphore(%arg10 : memref<!tpu.dma_semaphore, #tpu.memory_space<semaphore_mem>>) src(%dma_wait3A_274 : memref<1000000x16xf32, #tpu.memory_space<hbm>>) dst(%dma_wait3A_268 : memref<128x16xf32, #tpu.memory_space<vmem>>)
      %dma_wait3A_275 = arith.constant 6 : i32
      %dma_wait3A_276 = arith.constant 768 : i32
      %dma_wait3A_277 = tpu.memref_slice %arg9[%dma_wait3A_276] : memref<1024xf32, #tpu.memory_space<vmem>> -> memref<128xf32, #tpu.memory_space<vmem>>
      %dma_wait3A_278 = arith.constant 0 : i32
      %dma_wait3A_279 = tpu.memref_slice %arg7[%dma_wait3A_275, %dma_wait3A_278] : memref<8x128xi32, #tpu.memory_space<vmem>> -> memref<1x128xi32, #tpu.memory_space<vmem>>
      %dma_wait3A_280 = tpu.memref_squeeze %dma_wait3A_279 : memref<1x128xi32, #tpu.memory_space<vmem>> -> memref<128xi32, #tpu.memory_space<vmem>>
      %dma_wait3A_281 = arith.constant 0 : i32
      %dma_wait3A_282 = tpu.memref_slice %arg3[%dma_wait3A_281] : memref<1000000xf32, #tpu.memory_space<hbm>> -> memref<1000000xf32, #tpu.memory_space<hbm>>
      tpu.wait_indirect_dma semaphore(%arg11 : memref<!tpu.dma_semaphore, #tpu.memory_space<semaphore_mem>>) src(%dma_wait3A_282 : memref<1000000xf32, #tpu.memory_space<hbm>>) dst(%dma_wait3A_277 : memref<128xf32, #tpu.memory_space<vmem>>)
      %dma_wait3A_283 = arith.constant 7 : i32
      %dma_wait3A_284 = arith.constant 896 : i32
      %dma_wait3A_285 = arith.constant 0 : i32
      %dma_wait3A_286 = tpu.memref_slice %arg8[%dma_wait3A_284, %dma_wait3A_285] : memref<1024x16xf32, #tpu.memory_space<vmem>> -> memref<128x16xf32, #tpu.memory_space<vmem>>
      %dma_wait3A_287 = arith.constant 0 : i32
      %dma_wait3A_288 = tpu.memref_slice %arg7[%dma_wait3A_283, %dma_wait3A_287] : memref<8x128xi32, #tpu.memory_space<vmem>> -> memref<1x128xi32, #tpu.memory_space<vmem>>
      %dma_wait3A_289 = tpu.memref_squeeze %dma_wait3A_288 : memref<1x128xi32, #tpu.memory_space<vmem>> -> memref<128xi32, #tpu.memory_space<vmem>>
      %dma_wait3A_290 = arith.constant 0 : i32
      %dma_wait3A_291 = arith.constant 0 : i32
      %dma_wait3A_292 = tpu.memref_slice %arg2[%dma_wait3A_290, %dma_wait3A_291] : memref<1000000x16xf32, #tpu.memory_space<hbm>> -> memref<1000000x16xf32, #tpu.memory_space<hbm>>
      tpu.wait_indirect_dma semaphore(%arg10 : memref<!tpu.dma_semaphore, #tpu.memory_space<semaphore_mem>>) src(%dma_wait3A_292 : memref<1000000x16xf32, #tpu.memory_space<hbm>>) dst(%dma_wait3A_286 : memref<128x16xf32, #tpu.memory_space<vmem>>)
      %dma_wait3A_293 = arith.constant 7 : i32
      %dma_wait3A_294 = arith.constant 896 : i32
      %dma_wait3A_295 = tpu.memref_slice %arg9[%dma_wait3A_294] : memref<1024xf32, #tpu.memory_space<vmem>> -> memref<128xf32, #tpu.memory_space<vmem>>
      %dma_wait3A_296 = arith.constant 0 : i32
      %dma_wait3A_297 = tpu.memref_slice %arg7[%dma_wait3A_293, %dma_wait3A_296] : memref<8x128xi32, #tpu.memory_space<vmem>> -> memref<1x128xi32, #tpu.memory_space<vmem>>
      %dma_wait3A_298 = tpu.memref_squeeze %dma_wait3A_297 : memref<1x128xi32, #tpu.memory_space<vmem>> -> memref<128xi32, #tpu.memory_space<vmem>>
      %dma_wait3A_299 = arith.constant 0 : i32
      %dma_wait3A_300 = tpu.memref_slice %arg3[%dma_wait3A_299] : memref<1000000xf32, #tpu.memory_space<hbm>> -> memref<1000000xf32, #tpu.memory_space<hbm>>
      tpu.wait_indirect_dma semaphore(%arg11 : memref<!tpu.dma_semaphore, #tpu.memory_space<semaphore_mem>>) src(%dma_wait3A_300 : memref<1000000xf32, #tpu.memory_space<hbm>>) dst(%dma_wait3A_295 : memref<128xf32, #tpu.memory_space<vmem>>)
      %mul3A_301 = arith.constant 128 : i32
      %mul3A_302 = arith.muli %add3A_14, %mul3A_301 : i32
      "tpu.region"() ({
        %run_scoped3A = tpu.sem_alloc : memref<!tpu.dma_semaphore, #tpu.memory_space<semaphore_mem>>
        %dma_start3A_303 = arith.constant 0 : i32
        %dma_start3A_304 = tpu.memref_slice %arg5[%mul3A_302, %dma_start3A_303] : memref<425984x16xf32, #tpu.memory_space<hbm>> -> memref<1024x16xf32, #tpu.memory_space<hbm>>
        %dma_start3A_305 = arith.constant 0 : i32
        %dma_start3A_306 = tpu.memref_slice %arg5[%mul3A_302, %dma_start3A_305] : memref<425984x16xf32, #tpu.memory_space<hbm>> -> memref<1024x16xf32, #tpu.memory_space<hbm>>
        tpu.enqueue_dma source(%arg8 : memref<1024x16xf32, #tpu.memory_space<vmem>>) target(%dma_start3A_306 : memref<1024x16xf32, #tpu.memory_space<hbm>>) target_semaphore(%run_scoped3A : memref<!tpu.dma_semaphore, #tpu.memory_space<semaphore_mem>>)
        %dma_wait3A_307 = arith.constant 0 : i32
        %dma_wait3A_308 = tpu.memref_slice %arg5[%mul3A_302, %dma_wait3A_307] : memref<425984x16xf32, #tpu.memory_space<hbm>> -> memref<1024x16xf32, #tpu.memory_space<hbm>>
        %dma_wait3A_309 = arith.constant 0 : i32
        %dma_wait3A_310 = tpu.memref_slice %arg5[%mul3A_302, %dma_wait3A_309] : memref<425984x16xf32, #tpu.memory_space<hbm>> -> memref<1024x16xf32, #tpu.memory_space<hbm>>
        tpu.wait_dma2 semaphore(%run_scoped3A : memref<!tpu.dma_semaphore, #tpu.memory_space<semaphore_mem>>) src(%arg8 : memref<1024x16xf32, #tpu.memory_space<vmem>>) dst(%dma_wait3A_310 : memref<1024x16xf32, #tpu.memory_space<hbm>>)
        tpu.yield
      }) : () -> ()
      "tpu.region"() ({
        %run_scoped3A = tpu.sem_alloc : memref<!tpu.dma_semaphore, #tpu.memory_space<semaphore_mem>>
        %dma_start3A_303 = tpu.memref_slice %arg6[%mul3A_302] : memref<425984xf32, #tpu.memory_space<hbm>> -> memref<1024xf32, #tpu.memory_space<hbm>>
        %dma_start3A_304 = tpu.memref_slice %arg6[%mul3A_302] : memref<425984xf32, #tpu.memory_space<hbm>> -> memref<1024xf32, #tpu.memory_space<hbm>>
        tpu.enqueue_dma source(%arg9 : memref<1024xf32, #tpu.memory_space<vmem>>) target(%dma_start3A_304 : memref<1024xf32, #tpu.memory_space<hbm>>) target_semaphore(%run_scoped3A : memref<!tpu.dma_semaphore, #tpu.memory_space<semaphore_mem>>)
        %dma_wait3A_305 = tpu.memref_slice %arg6[%mul3A_302] : memref<425984xf32, #tpu.memory_space<hbm>> -> memref<1024xf32, #tpu.memory_space<hbm>>
        %dma_wait3A_306 = tpu.memref_slice %arg6[%mul3A_302] : memref<425984xf32, #tpu.memory_space<hbm>> -> memref<1024xf32, #tpu.memory_space<hbm>>
        tpu.wait_dma2 semaphore(%run_scoped3A : memref<!tpu.dma_semaphore, #tpu.memory_space<semaphore_mem>>) src(%arg9 : memref<1024xf32, #tpu.memory_space<vmem>>) dst(%dma_wait3A_306 : memref<1024xf32, #tpu.memory_space<hbm>>)
        tpu.yield
      }) : () -> ()
    }
    %scan3A_6 = arith.constant 13 : i32
    return
  }
}

module attributes {stable_mosaic.version = 14 : i64} {
  func.func @_fm_mlp_body(%arg0: i32, %arg1: memref<1024x416xf32, #tpu.memory_space<vmem>>, %arg2: memref<1024x26xf32, #tpu.memory_space<vmem>>, %arg3: memref<1024x26xf32, #tpu.memory_space<vmem>>, %arg4: memref<416x256xf32, #tpu.memory_space<vmem>>, %arg5: memref<1x256xf32, #tpu.memory_space<vmem>>, %arg6: memref<256x128xf32, #tpu.memory_space<vmem>>, %arg7: memref<1x128xf32, #tpu.memory_space<vmem>>, %arg8: memref<128x1xf32, #tpu.memory_space<vmem>>, %arg9: memref<1x1xf32, #tpu.memory_space<vmem>>, %arg10: memref<26x416xf32, #tpu.memory_space<vmem>>, %arg11: memref<416x16xf32, #tpu.memory_space<vmem>>, %arg12: memref<1024xf32, #tpu.memory_space<vmem>>) attributes {dimension_semantics = [#tpu.dimension_semantics<arbitrary>], iteration_bounds = array<i64: 16>, scalar_prefetch = 0 : i64, scratch_operands = 0 : i64, tpu.core_type = #tpu.core_type<tc>, window_params = [{transform_indices = @transform_0, window_bounds = array<i64: 1024, 416>}, {transform_indices = @transform_1, window_bounds = array<i64: 1024, 26>}, {transform_indices = @transform_2, window_bounds = array<i64: 1024, 26>}, {pipeline_mode = #tpu.pipeline_mode<synchronous>, transform_indices = @transform_3, window_bounds = array<i64: 416, 256>}, {pipeline_mode = #tpu.pipeline_mode<synchronous>, transform_indices = @transform_4, window_bounds = array<i64: 1, 256>}, {pipeline_mode = #tpu.pipeline_mode<synchronous>, transform_indices = @transform_5, window_bounds = array<i64: 256, 128>}, {pipeline_mode = #tpu.pipeline_mode<synchronous>, transform_indices = @transform_6, window_bounds = array<i64: 1, 128>}, {pipeline_mode = #tpu.pipeline_mode<synchronous>, transform_indices = @transform_7, window_bounds = array<i64: 128, 1>}, {pipeline_mode = #tpu.pipeline_mode<synchronous>, transform_indices = @transform_8, window_bounds = array<i64: 1, 1>}, {pipeline_mode = #tpu.pipeline_mode<synchronous>, transform_indices = @transform_9, window_bounds = array<i64: 26, 416>}, {pipeline_mode = #tpu.pipeline_mode<synchronous>, transform_indices = @transform_10, window_bounds = array<i64: 416, 16>}, {transform_indices = @transform_11, window_bounds = array<i64: 1024>}]} {
    %get3A = arith.constant 0 : index
    %get3A_0 = arith.constant 0 : index
    %get3A_1 = vector.load %arg2[%get3A, %get3A_0] : memref<1024x26xf32, #tpu.memory_space<vmem>>, vector<1024x26xf32>
    %get3A_2 = arith.constant 0 : index
    %get3A_3 = arith.constant 0 : index
    %get3A_4 = vector.load %arg10[%get3A_2, %get3A_3] : memref<26x416xf32, #tpu.memory_space<vmem>>, vector<26x416xf32>
    %dot_general3A = arith.constant dense<0.000000e+00> : vector<1024x416xf32>
    %dot_general3A_5 = tpu.matmul %get3A_1, %get3A_4, %dot_general3A {dimension_numbers = #tpu.dot_dimension_numbers<[1], [0], [0], [1], [0, 0, 1, 1], [], []>, transpose_lhs_hint = false} : vector<1024x26xf32>, vector<26x416xf32>, vector<1024x416xf32> -> vector<1024x416xf32>
    %get3A_6 = arith.constant 0 : index
    %get3A_7 = arith.constant 0 : index
    %get3A_8 = vector.load %arg1[%get3A_6, %get3A_7] : memref<1024x416xf32, #tpu.memory_space<vmem>>, vector<1024x416xf32>
    %mul3A = arith.mulf %get3A_8, %dot_general3A_5 : vector<1024x416xf32>
    %get3A_9 = arith.constant 0 : index
    %get3A_10 = arith.constant 0 : index
    %get3A_11 = vector.load %arg3[%get3A_9, %get3A_10] : memref<1024x26xf32, #tpu.memory_space<vmem>>, vector<1024x26xf32>
    %mul3A_12 = arith.mulf %get3A_11, %get3A_1 : vector<1024x26xf32>
    %reduce_sum3A = arith.constant dense<0.000000e+00> : vector<1024xf32>
    %reduce_sum3A_13 = vector.multi_reduction <add>, %mul3A_12, %reduce_sum3A [1] : vector<1024x26xf32> to vector<1024xf32>
    %get3A_14 = arith.constant 0 : index
    %get3A_15 = arith.constant 0 : index
    %get3A_16 = vector.load %arg11[%get3A_14, %get3A_15] : memref<416x16xf32, #tpu.memory_space<vmem>>, vector<416x16xf32>
    %dot_general3A_17 = arith.constant dense<0.000000e+00> : vector<1024x16xf32>
    %dot_general3A_18 = tpu.matmul %mul3A, %get3A_16, %dot_general3A_17 {dimension_numbers = #tpu.dot_dimension_numbers<[1], [0], [0], [1], [0, 0, 1, 1], [], []>, transpose_lhs_hint = false} : vector<1024x416xf32>, vector<416x16xf32>, vector<1024x16xf32> -> vector<1024x16xf32>
    %mul3A_19 = arith.mulf %mul3A, %mul3A : vector<1024x416xf32>
    %dot_general3A_20 = arith.constant dense<0.000000e+00> : vector<1024x16xf32>
    %dot_general3A_21 = tpu.matmul %mul3A_19, %get3A_16, %dot_general3A_20 {dimension_numbers = #tpu.dot_dimension_numbers<[1], [0], [0], [1], [0, 0, 1, 1], [], []>, transpose_lhs_hint = false} : vector<1024x416xf32>, vector<416x16xf32>, vector<1024x16xf32> -> vector<1024x16xf32>
    %mul3A_22 = arith.mulf %dot_general3A_18, %dot_general3A_18 : vector<1024x16xf32>
    %sub3A = arith.subf %mul3A_22, %dot_general3A_21 : vector<1024x16xf32>
    %reduce_sum3A_23 = arith.constant dense<0.000000e+00> : vector<1024xf32>
    %reduce_sum3A_24 = vector.multi_reduction <add>, %sub3A, %reduce_sum3A_23 [1] : vector<1024x16xf32> to vector<1024xf32>
    %mul3A_25 = arith.constant 5.000000e-01 : f32
    %mul3A_26 = vector.broadcast %mul3A_25 : f32 to vector<1024xf32>
    %mul3A_27 = arith.mulf %mul3A_26, %reduce_sum3A_24 : vector<1024xf32>
    %get3A_28 = arith.constant 0 : index
    %get3A_29 = arith.constant 0 : index
    %get3A_30 = vector.load %arg4[%get3A_28, %get3A_29] : memref<416x256xf32, #tpu.memory_space<vmem>>, vector<416x256xf32>
    %dot_general3A_31 = arith.constant dense<0.000000e+00> : vector<1024x256xf32>
    %dot_general3A_32 = tpu.matmul %mul3A, %get3A_30, %dot_general3A_31 {dimension_numbers = #tpu.dot_dimension_numbers<[1], [0], [0], [1], [0, 0, 1, 1], [], []>, transpose_lhs_hint = false} : vector<1024x416xf32>, vector<416x256xf32>, vector<1024x256xf32> -> vector<1024x256xf32>
    %get3A_33 = arith.constant 0 : index
    %get3A_34 = arith.constant 0 : index
    %get3A_35 = vector.load %arg5[%get3A_33, %get3A_34] : memref<1x256xf32, #tpu.memory_space<vmem>>, vector<1x256xf32>
    %add3A = vector.broadcast %get3A_35 : vector<1x256xf32> to vector<1024x256xf32>
    %add3A_36 = arith.addf %dot_general3A_32, %add3A : vector<1024x256xf32>
    %max3A = arith.constant 0.000000e+00 : f32
    %max3A_37 = vector.broadcast %max3A : f32 to vector<1024x256xf32>
    %max3A_38 = arith.maximumf %add3A_36, %max3A_37 : vector<1024x256xf32>
    %get3A_39 = arith.constant 0 : index
    %get3A_40 = arith.constant 0 : index
    %get3A_41 = vector.load %arg6[%get3A_39, %get3A_40] : memref<256x128xf32, #tpu.memory_space<vmem>>, vector<256x128xf32>
    %dot_general3A_42 = arith.constant dense<0.000000e+00> : vector<1024x128xf32>
    %dot_general3A_43 = tpu.matmul %max3A_38, %get3A_41, %dot_general3A_42 {dimension_numbers = #tpu.dot_dimension_numbers<[1], [0], [0], [1], [0, 0, 1, 1], [], []>, transpose_lhs_hint = false} : vector<1024x256xf32>, vector<256x128xf32>, vector<1024x128xf32> -> vector<1024x128xf32>
    %get3A_44 = arith.constant 0 : index
    %get3A_45 = arith.constant 0 : index
    %get3A_46 = vector.load %arg7[%get3A_44, %get3A_45] : memref<1x128xf32, #tpu.memory_space<vmem>>, vector<1x128xf32>
    %add3A_47 = vector.broadcast %get3A_46 : vector<1x128xf32> to vector<1024x128xf32>
    %add3A_48 = arith.addf %dot_general3A_43, %add3A_47 : vector<1024x128xf32>
    %max3A_49 = arith.constant 0.000000e+00 : f32
    %max3A_50 = vector.broadcast %max3A_49 : f32 to vector<1024x128xf32>
    %max3A_51 = arith.maximumf %add3A_48, %max3A_50 : vector<1024x128xf32>
    %get3A_52 = arith.constant 0 : index
    %get3A_53 = arith.constant 0 : index
    %get3A_54 = vector.load %arg8[%get3A_52, %get3A_53] : memref<128x1xf32, #tpu.memory_space<vmem>>, vector<128x1xf32>
    %dot_general3A_55 = arith.constant dense<0.000000e+00> : vector<1024x1xf32>
    %dot_general3A_56 = tpu.matmul %max3A_51, %get3A_54, %dot_general3A_55 {dimension_numbers = #tpu.dot_dimension_numbers<[1], [0], [0], [1], [0, 0, 1, 1], [], []>, transpose_lhs_hint = false} : vector<1024x128xf32>, vector<128x1xf32>, vector<1024x1xf32> -> vector<1024x1xf32>
    %squeeze3A = vector.shape_cast %dot_general3A_56 : vector<1024x1xf32> to vector<1024xf32>
    %add3A_57 = arith.addf %reduce_sum3A_13, %mul3A_27 : vector<1024xf32>
    %add3A_58 = arith.addf %add3A_57, %squeeze3A : vector<1024xf32>
    %get3A_59 = arith.constant 0 : index
    %get3A_60 = arith.constant 0 : index
    %get3A_61 = vector.load %arg9[%get3A_59, %get3A_60] : memref<1x1xf32, #tpu.memory_space<vmem>>, vector<1x1xf32>
    %get3A_62 = vector.extract %get3A_61[0, 0] : f32 from vector<1x1xf32>
    %add3A_63 = vector.broadcast %get3A_62 : f32 to vector<1024xf32>
    %add3A_64 = arith.addf %add3A_58, %add3A_63 : vector<1024xf32>
    %neg3A = arith.constant 0.000000e+00 : f32
    %neg3A_65 = vector.broadcast %neg3A : f32 to vector<1024xf32>
    %neg3A_66 = arith.subf %neg3A_65, %add3A_64 : vector<1024xf32>
    %exp3A = math.exp %neg3A_66 : vector<1024xf32>
    %add3A_67 = arith.constant 1.000000e+00 : f32
    %add3A_68 = vector.broadcast %add3A_67 : f32 to vector<1024xf32>
    %add3A_69 = arith.addf %add3A_68, %exp3A : vector<1024xf32>
    %div3A = arith.constant 1.000000e+00 : f32
    %div3A_70 = vector.broadcast %div3A : f32 to vector<1024xf32>
    %div3A_71 = arith.divf %div3A_70, %add3A_69 : vector<1024xf32>
    %swap3A = arith.constant 0 : index
    %swap3A_72 = vector.load %arg12[%swap3A] : memref<1024xf32, #tpu.memory_space<vmem>>, vector<1024xf32>
    tpu.vector_store %arg12[%swap3A], %div3A_71 {strides = array<i32>} : memref<1024xf32, #tpu.memory_space<vmem>>, vector<1024xf32>,
    return
  }
  func.func @transform_0(%arg0: i32) -> (i32, i32) {
    %c0_i32 = arith.constant 0 : i32
    %c0_i32_0 = arith.constant 0 : i32
    return %arg0, %c0_i32 : i32, i32
  }
  func.func @transform_1(%arg0: i32) -> (i32, i32) {
    %c0_i32 = arith.constant 0 : i32
    %c0_i32_0 = arith.constant 0 : i32
    return %arg0, %c0_i32 : i32, i32
  }
  func.func @transform_2(%arg0: i32) -> (i32, i32) {
    %c0_i32 = arith.constant 0 : i32
    %c0_i32_0 = arith.constant 0 : i32
    return %arg0, %c0_i32 : i32, i32
  }
  func.func @transform_3(%arg0: i32) -> (i32, i32) {
    %c0_i32 = arith.constant 0 : i32
    %c0_i32_0 = arith.constant 0 : i32
    %c0_i32_1 = arith.constant 0 : i32
    return %c0_i32, %c0_i32_0 : i32, i32
  }
  func.func @transform_4(%arg0: i32) -> (i32, i32) {
    %c0_i32 = arith.constant 0 : i32
    %c0_i32_0 = arith.constant 0 : i32
    %c0_i32_1 = arith.constant 0 : i32
    return %c0_i32, %c0_i32_0 : i32, i32
  }
  func.func @transform_5(%arg0: i32) -> (i32, i32) {
    %c0_i32 = arith.constant 0 : i32
    %c0_i32_0 = arith.constant 0 : i32
    %c0_i32_1 = arith.constant 0 : i32
    return %c0_i32, %c0_i32_0 : i32, i32
  }
  func.func @transform_6(%arg0: i32) -> (i32, i32) {
    %c0_i32 = arith.constant 0 : i32
    %c0_i32_0 = arith.constant 0 : i32
    %c0_i32_1 = arith.constant 0 : i32
    return %c0_i32, %c0_i32_0 : i32, i32
  }
  func.func @transform_7(%arg0: i32) -> (i32, i32) {
    %c0_i32 = arith.constant 0 : i32
    %c0_i32_0 = arith.constant 0 : i32
    %c0_i32_1 = arith.constant 0 : i32
    return %c0_i32, %c0_i32_0 : i32, i32
  }
  func.func @transform_8(%arg0: i32) -> (i32, i32) {
    %c0_i32 = arith.constant 0 : i32
    %c0_i32_0 = arith.constant 0 : i32
    %c0_i32_1 = arith.constant 0 : i32
    return %c0_i32, %c0_i32_0 : i32, i32
  }
  func.func @transform_9(%arg0: i32) -> (i32, i32) {
    %c0_i32 = arith.constant 0 : i32
    %c0_i32_0 = arith.constant 0 : i32
    %c0_i32_1 = arith.constant 0 : i32
    return %c0_i32, %c0_i32_0 : i32, i32
  }
  func.func @transform_10(%arg0: i32) -> (i32, i32) {
    %c0_i32 = arith.constant 0 : i32
    %c0_i32_0 = arith.constant 0 : i32
    %c0_i32_1 = arith.constant 0 : i32
    return %c0_i32, %c0_i32_0 : i32, i32
  }
  func.func @transform_11(%arg0: i32) -> i32 {
    %c0_i32 = arith.constant 0 : i32
    return %arg0 : i32
  }
}

</mosaic_0001>

<sc_bundles>
// kernel: kernel.4.cloned.1.call-start
scs
__scs_entry_jumppad:
0x0: {  	(pc) =	sbr.rel $0x88, $3  }
0x1: {  	(tag) =	ssettag $0x0;
	lr =	simm.s32 $0x1  }
0x2: {  	[smem:$0x3F96] =	sst lr;
	_ =	strace $0xD0000000  }
0x3: {  	_ = 	snop  }
0x4: {  	_ = 	snop  }
0x5: {  	_ = 	snop  }
0x6: {  	_ = 	snop  }
0x7: {  	_ = 	snop  }
__scs_overlays_trampoline_lowered:
0x8: {  	[smem:$0x3FA5] =	sst s0  }
0x9: {  	[smem:$0x3FA6] =	sst s1  }
0xa: {  	[smem:$0x3FA7] =	sst s2  }
0xb: {  	[smem:$0x3FA8] =	sst s3  }
0xc: {  	[smem:$0x3FA9] =	sst s4  }
0xd: {  	[smem:$0x3FAA] =	sst s5  }
0xe: {  	[smem:$0x3FAB] =	sst s6  }
0xf: {  	[smem:$0x3FAC] =	sst s7  }
0x10: {  	[smem:$0x3FAD] =	sst s8  }
0x11: {  	[smem:$0x3FAE] =	sst s9;
	s0 =	simm.s32 @!p0 $0x0  }
0x12: {  	s1 =	sld [smem:$0x3F94];
	s0 =	simm.s32 @p0 $0x1  }
0x13: {  	[smem:$0x3FAF] =	sst s0;
	s0 =	simm.s32 @!p1 $0x0  }
0x14: {  	s2 =	sld [smem:$0x3F93];
	s0 =	simm.s32 @p1 $0x1  }
0x15: {  	[smem:$0x3FB0] =	sst s0;
	s0 =	simm.s32 @!p2 $0x0  }
0x16: {  	s3 =	sld [smem:$0x3FDB];
	s0 =	simm.s32 @p2 $0x1  }
0x17: {  	s4 =	simm.s32 $0x1BF5;
	[smem:$0x3FB2] =	sst s0  }
0x18: {  	s0 =	sld [smem:$0x3F95];
	_ =	swait.ge [sflag:s4], $0x0  }
0x19: {  	s7 =	sld [smem:$0x3F96]  }
0x1a: {  	s8 =	sadd.s32 $0xFFFFE003, lr  }
0x1b: {  	s9 =	sadd.s32 $0xFFFFFEF7, lr;
	s5 =	simm.s32 $0xFFFFFFFF;
	p2 =	slt.u32 s8, $0xFFFFF086  }
0x1c: {  	p1 =	slt.u32 s9, $0xF7A;
	s5 =	simm.s32 @!p2 $0x0  }
0x1d: {  	s5 =	simm.s32 @p1 $0x1;
	p0 =	seq.s32 s7, s2  }
0x1e: {  	s7 =	smul.u32 @!p0 $0xF7A, s2;
	p2 =	seq.s32 @!p0 s5, $0x0  }
0x1f: {  	s9 =	smul.u32 $0xF7A, s1;
	s8 =	simm.s32 @!p0 $0x1BF5;
	p2 =	por !p2, p0  }
0x20: {  	[sflag:s8] =	ssyncset.s32 @!p0 $0xFFFFF086;
	s6 =	sadd.s32 @!p0 s3, s7;
	s7 =	simm.s32 @!p0 $0x108  }
0x21: {  	s3 =	sadd.s32 s3, s9;
	s6 =	sadd.s32 @!p0 $0x88, s6;
	s7 =	simm.s32 @p2 $0x1082  }
0x22: {  	[simem:s7], [sflag:s8] =	dma.local @!p0 [hbm:s6], $0xF7A  }
0x23: {  	s9 =	sor.u32 $0xD0000000, s2;
	s6 =	simm.s32 $0x108;
	_ =	swait.ge @!p0 [sflag:s8], $0x0  }
0x24: {  	s3 =	sadd.s32 $0x88, s3;
	s6 =	simm.s32 @!p1 $0x1082;
	[sflag:s4] =	ssyncset.s32 $0xFFFFF086  }
0x25: {  	[simem:s6], [sflag:s4] =	dma.local [hbm:s3], $0xF7A  }
0x26: {  	[smem:$0x3F96] =	sst s1;
	(tag) =	ssettag s2;
	_ =	strace s9  }
0x27: {  	s1 =	sld [smem:$0x3FA6]  }
0x28: {  	s2 =	sld [smem:$0x3FA7]  }
0x29: {  	s4 =	sld [smem:$0x3FA9]  }
0x2a: {  	p0 =	seq.s32 s5, $0x0;
	s5 =	sld [smem:$0x3FAA]  }
0x2b: {  	s6 =	sld [smem:$0x3FAB]  }
0x2c: {  	s7 =	sld [smem:$0x3FAC]  }
0x2d: {  	s3 =	simm.s32 $0x108;
	s8 =	sld [smem:$0x3FAD]  }
0x2e: {  	s3 =	simm.s32 @!p0 $0x1082;
	s9 =	sld [smem:$0x3FAE]  }
0x2f: {  	lr =	sadd.s32 s0, s3;
	s0 =	sld [smem:$0x3FA5]  }
0x30: {  	s3 =	sld [smem:$0x3FA8]  }
0x31: {  	[smem:$0x3FB1] =	sst s10  }
0x32: {  	s10 =	sld [smem:$0x3FAF];
	_ =	sdelay $0x3  }
0x33: {  	p0 =	seq.s32 s10, $0x1;
	s10 =	sld [smem:$0x3FB1];
	_ =	sdelay $0x3  }
0x34: {  	[smem:$0x3FB1] =	sst s10  }
0x35: {  	s10 =	sld [smem:$0x3FB0];
	_ =	sdelay $0x3  }
0x36: {  	p1 =	seq.s32 s10, $0x1;
	s10 =	sld [smem:$0x3FB1];
	_ =	sdelay $0x3  }
0x37: {  	[smem:$0x3FB1] =	sst s10  }
0x38: {  	s10 =	sld [smem:$0x3FB2]  }
0x39: {  	_ = 	snop;
	(pc) =	sbr.ind lr, $3  }
0x3a: {  	_ = 	snop  }
0x3b: {  	_ = 	snop  }
0x3c: {  	p2 =	seq.s32 s10, $0x1;
	s10 =	sld [smem:$0x3FB1]  }
0x3d: {  	_ =	shalt  }
0x3e: {  	_ =	shalt  }
0x3f: {  	_ =	shalt  }
0x40: {  	_ =	shalt  }
0x41: {  	_ =	shalt  }
0x42: {  	_ =	shalt  }
0x43: {  	_ =	shalt  }
0x44: {  	_ =	shalt  }
0x45: {  	_ =	shalt  }
0x46: {  	_ =	shalt  }
0x47: {  	_ =	shalt  }
0x48: {  	_ =	shalt  }
0x49: {  	_ =	shalt  }
0x4a: {  	_ =	shalt  }
0x4b: {  	_ =	shalt  }
0x4c: {  	_ =	shalt  }
0x4d: {  	_ =	shalt  }
0x4e: {  	_ =	shalt  }
0x4f: {  	_ =	shalt  }
0x50: {  	_ =	shalt  }
0x51: {  	_ =	shalt  }
0x52: {  	_ =	shalt  }
0x53: {  	_ =	shalt  }
0x54: {  	_ =	shalt  }
0x55: {  	_ =	shalt  }
0x56: {  	_ =	shalt  }
0x57: {  	_ =	shalt  }
0x58: {  	_ =	shalt  }
0x59: {  	_ =	shalt  }
0x5a: {  	_ =	shalt  }
0x5b: {  	_ =	shalt  }
0x5c: {  	_ =	shalt  }
0x5d: {  	_ =	shalt  }
0x5e: {  	_ =	shalt  }
0x5f: {  	_ =	shalt  }
0x60: {  	_ =	shalt  }
0x61: {  	_ =	shalt  }
0x62: {  	_ =	shalt  }
0x63: {  	_ =	shalt  }
0x64: {  	_ =	shalt  }
0x65: {  	_ =	shalt  }
0x66: {  	_ =	shalt  }
0x67: {  	_ =	shalt  }
0x68: {  	_ =	shalt  }
0x69: {  	_ =	shalt  }
0x6a: {  	_ =	shalt  }
0x6b: {  	_ =	shalt  }
0x6c: {  	_ =	shalt  }
0x6d: {  	_ =	shalt  }
0x6e: {  	_ =	shalt  }
0x6f: {  	_ =	shalt  }
0x70: {  	_ =	shalt  }
0x71: {  	_ =	shalt  }
0x72: {  	_ =	shalt  }
0x73: {  	_ =	shalt  }
0x74: {  	_ =	shalt  }
0x75: {  	_ =	shalt  }
0x76: {  	_ =	shalt  }
0x77: {  	_ =	shalt  }
0x78: {  	_ =	shalt  }
0x79: {  	_ =	shalt  }
0x7a: {  	_ =	shalt  }
0x7b: {  	_ =	shalt  }
0x7c: {  	_ =	shalt  }
0x7d: {  	_ =	shalt  }
0x7e: {  	_ =	shalt  }
0x7f: {  	_ =	shalt  }
0x80: {  	_ =	shalt  }
0x81: {  	_ =	shalt  }
0x82: {  	_ =	shalt  }
0x83: {  	_ =	shalt  }
0x84: {  	_ =	shalt  }
0x85: {  	_ =	shalt  }
0x86: {  	_ =	shalt  }
0x87: {  	_ =	shalt  }
.Lfunc_end0:
.L_simem_size_0:
called_computation_lowered:
.L_overlay_start_0:
0x88: {  	s2 =	sld [smem:$0x3FD9]  }
0x89: {  	s3 =	sld [smem:$0x3FFE];
	_ =	sdelay $0x1  }
0x8a: {  	s1 =	srdreg.scid  }
0x8b: {  	s0 =	sand.u32 $0x1, s1  }
0x8c: {  	s17 =	sshll.u32 s0, $0xA;
	s2 =	sadd.s32 s3, s2  }
0x8d: {  	s2 =	sadd.s32 s2, s17  }
0x8e: {  	[smem:$0x3FBD] =	sst s2  }
0x8f: {  	_ = 	snop  }
0x90: {  	s2 =	sld [smem:$0x3FC7];
	(tm) =	ssettm $0x1  }
0x91: {  	s18 =	sld [smem:$0x3FFB];
	_ =	sdelay $0x3  }
0x92: {  	_ =	strace s18  }
0x93: {  	s3 =	sld [smem:$0x3FFC];
	_ =	sdelay $0x3  }
0x94: {  	_ =	strace s3  }
0x95: {  	s3 =	sld [smem:$0x3FFD];
	_ =	sdelay $0x3  }
0x96: {  	_ =	strace s3  }
0x97: {  	_ =	strace $0x8FFFFFFF  }
0x98: {  	s19 =	sld [smem:$0x3FDB];
	_ =	sdelay $0x1  }
0x99: {  	s4 =	simm.s32 $_scs_section_size  }
0x9a: {  	s5 =	simm.s32 $_size__tile_overlayer_lowered;
	s6 =	simm.s32 $_tile_overlayer_lowered  }
0x9b: {  	s22 =	simm.s32 $0x1BFF;
	s21 =	sshll.u32 s6, $0x1;
	s3 =	sadd.s32 s4, s19  }
0x9c: {  	s7 =	simm.s32 $0x0;
	s20 =	sshll.u32 s5, $0x1;
	s5 =	sadd.s32 s21, s3  }
0x9d: {  	[timem:s7], [sflag:s22] =	dma.local [hbm:s5], s20  }
0x9e: {  	_ =	swait.ge [sflag:s22], s20  }
0x9f: {  	s4 =	ssub.s32 $0x0, s20;
	[sflag:s22] =	ssyncset.done $0x0  }
0xa0: {  	[sflag:s22] =	ssyncadd.s32 s4;
	_ =	sdelay $0x1  }
0xa1: {  	s23 =	simm.s32 $0x1B8B  }
0xa2: {  	_ =	swait.ge [sflag:s23], $0x1  }
0xa3: {  	[sflag:s23] =	ssyncset.done $0x0  }
0xa4: {  	s25 =	simm.s32 $0x1B8E;
	s24 =	sld [smem:$0x3FFE];
	[sflag:s23] =	ssyncadd.s32 $0xFFFFFFFF  }
0xa5: {  	s26 =	simm.s32 $execute0_lowered;
	[smem:$0x3FD2] =	sst s25  }
0xa6: {  	s5 =	sshll.u32 s26, $0x1;
	_ =	strace $0x80000046;
	[dreg:$0x1] =	wrdreg $0xFFFFFFFF  }
0xa7: {  	s28 =	simm.s32 $_size_execute0_lowered;
	s3 =	sadd.s32 s3, s5;
	[dreg:$0x0] =	wrdreg $0x0  }
0xa8: {  	s5 =	sshll.u32 s28, $0x1;
	[dreg:$0x2] =	wrdreg s3  }
0xa9: {  	[dreg:$0x3] =	wrdreg s5  }
0xaa: {  	[dreg:$0x4] =	wrdreg $0xC0  }
0xab: {  	_ =	task [dreg:s7], $0x5FFFF  }
0xac: {  	[dreg:$0x1] =	wrdreg $0xFFFFFFFF  }
0xad: {  	[dreg:$0x0] =	wrdreg $0x60  }
0xae: {  	[dreg:$0x2] =	wrdreg s24  }
0xaf: {  	[dreg:$0x3] =	wrdreg s2  }
0xb0: {  	[dreg:$0x4] =	wrdreg $0x9  }
0xb1: {  	_ =	task.clear_ibuf [dreg:s7], $0x5FFFF;
	_ =	strace $0x90000046  }
0xb2: {  	s29 =	simm.s32 $0x9;
	_ =	strace $0x80000048  }
0xb3: {  	_ =	swait.ge [sflag:s29], $0x1  }
0xb4: {  	[sflag:s29] =	ssyncadd.s32 $0xFFFFFFFF  }
0xb5: {  	_ =	strace $0x90000048  }
0xb6: {  	_ =	sfence  }
0xb7: {  	s30 =	sld [smem:$0x0];
	_ =	sdelay $0x2  }
0xb8: {  	s31 =	sshll.u32 s1, $0xD;
	s1 =	sshrl.u32 s1, $0x2  }
0xb9: {  	s3 =	sand.u32 $0x4000, s31;
	s1 =	sadd.s32 s1, s30  }
0xba: {  	s0 =	sor.u32 s3, s0;
	s1 =	sshll.u32 s1, $0x11  }
0xbb: {  	s0 =	sor.u32 s1, s0  }
0xbc: {  	s0 =	sadd.s32 $0x8F2B, s0  }
0xbd: {  	[sflag:s0] =	ssyncadd.remote.s32 $0x1  }
0xbe: {  	_ =	sfence.sel $0xFFFF  }
0xbf: {  	[dreg:$0x0] =	wrdreg $0xFFFFFFFF;
	(pc) =	sbr.abs _section_cstart, $3  }
0xc0: {  	[dreg:$0x1] =	wrdreg $0xFFFFFFFF  }
0xc1: {  	_ =	task.clear_ibuf [dreg:s7], $0x2FFFF;
	_ =	strace $0x9FFFFFFF  }
0xc2: {  	(tm) =	ssettm $0x7FFFFFFF  }
0xc3: {  	_ =	shalt  }
tec
execute0_lowered:
.L_overlay_start_1:
0x0: {  	(tag) =	ssettag $0x1  }
0x1: {  	s0 =	rddreg [dreg:$0x0]  }
0x2: {  	s2 =	rddreg [dreg:$0x1];
	s1 =	srdreg.scid  }
0x3: {  	s7 =	stileid.u32;
	s3 =	simm.s32 $0x0;
	s25 =	simm.s32 $0xC00  }
0x4: {  	s26 =	simm.s32 $0x4480;
	s30 =	simm.s32 $0x1400;
	s9 =	simm.s32 $0x400  }
0x5: {  	s31 =	simm.s32 $0x4500;
	s10 =	simm.s32 $0x4400;
	s11 =	simm.s32 $0x100  }
0x6: {  	s12 =	simm.s32 $0x180;
	s13 =	simm.s32 $0x1C00;
	s14 =	simm.s32 $0x4580  }
0x7: {  	s15 =	simm.s32 $0x200;
	s16 =	simm.s32 $0x2400;
	s17 =	simm.s32 $0x4600  }
0x8: {  	s18 =	simm.s32 $0x280;
	s19 =	simm.s32 $0x2C00;
	s20 =	simm.s32 $0x4680  }
0x9: {  	s21 =	simm.s32 $0x300;
	s28 =	simm.s32 $0x1;
	s29 =	simm.s32 $0x2  }
0xa: {  	s1 =	sand.u32 $0x1, s1;
	s5 =	smul.u32 $0x6800, s7;
	[smem:$0x7FF] =	sst s3  }
0xb: {  	s7 =	smul.u32 $0xD000, s7;
	_ =	strace $0x80000047;
	[dreg:$0x5] =	wrdreg s25  }
0xc: {  	s4 =	sadd.s32 $0xF44000, s0;
	s6 =	smul.u32 $0x3400, s1;
	[dreg:$0x6] =	wrdreg s26  }
0xd: {  	s22 =	ssub.s32 $0x2, s1;
	s1 =	smul.u32 $0x6800, s1;
	[dreg:$0x7] =	wrdreg s30  }
0xe: {  	[dreg:$0x8] =	wrdreg s31;
	s25 =	simm.s32 $0x3C00;
	s8 =	sshrl.u32 s22, $0x1  }
0xf: {  	s26 =	simm.s32 $0x4780;
	s5 =	sadd.s32 s6, s5;
	s6 =	ssub.s32 s22, s8  }
0x10: {  	s8 =	simm.s32 $0x80;
	s22 =	simm.s32 $0x3400;
	s5 =	sshrl.u32 s5, $0x3  }
0x11: {  	s6 =	smax.u32 s6, $0x1;
	s5 =	sadd.s32 s5, s0;
	s0 =	sadd.s32 s7, s0  }
0x12: {  	[dreg:$0x9] =	wrdreg s6;
	s7 =	simm.s32 $0x3;
	s23 =	sadd.s32 $0xDEC00, s5  }
0x13: {  	s0 =	sadd.s32 s1, s0;
	s24 =	sadd.s32 $0x1C00, s5;
	[dreg:$0x3] =	wrdreg s23  }
0x14: {  	s1 =	simm.s32 $0x0;
	s0 =	sadd.s32 $0xEC00, s0;
	[dreg:$0x4] =	wrdreg s24  }
0x15: {  	s23 =	simm.s32 $0x4700;
	s24 =	simm.s32 $0x380;
	[dreg:$0xa] =	wrdreg s0  }
.LBB2_1:
0x16: {  	s0 =	rddreg [dreg:$0x4]  }
0x17: {  	[dreg:$0xb] =	wrdreg s1;
	s0 =	sadd.s32 $0x0, s0  }
0x18: {  	[tilespmem:s3], [sflag:$0x3] =	stream.linear.gather [hbm4b:s0+s3], $0x400, $0x38;
	[tilespmem:$0x4800] =	vst v63  }
0x19: {  	_ =	swait.ge [sflag:s7], $0x400  }
0x1a: {  	[sflag:s7] =	ssyncset.done $0x0  }
0x1b: {  	[sflag:s7] =	ssyncadd.s32 $0xFFFFFC00  }
0x1c: {  	[tilespmem:s9], [sflag:$0x1] =	stream.indirect.gather [hbm4b:s4+s8], $0x10, s3, s8, $0xb8;
	[tilespmem:$0x4800] =	vst v63  }
0x1d: {  	_ = 	snop  }
0x1e: {  	[tilespmem:s10], [sflag:$0x2] =	stream.indirect.gather [hbm4b:s2+s8], $0x1, s3, s8, $0xb8;
	[tilespmem:$0x4800] =	vst v63  }
0x1f: {  	s6 =	rddreg [dreg:$0x5]  }
0x20: {  	[tilespmem:s6], [sflag:$0x1] =	stream.indirect.gather [hbm4b:s4+s8], $0x10, s8, s8, $0xb8;
	[tilespmem:$0x4800] =	vst v63  }
0x21: {  	s30 =	rddreg [dreg:$0x6]  }
0x22: {  	[tilespmem:s30], [sflag:$0x2] =	stream.indirect.gather [hbm4b:s2+s8], $0x1, s8, s8, $0xb8;
	[tilespmem:$0x4800] =	vst v63  }
0x23: {  	s5 =	rddreg [dreg:$0x7]  }
0x24: {  	[tilespmem:s5], [sflag:$0x1] =	stream.indirect.gather [hbm4b:s4+s8], $0x10, s11, s8, $0xb8;
	[tilespmem:$0x4800] =	vst v63  }
0x25: {  	s6 =	rddreg [dreg:$0x8]  }
0x26: {  	[tilespmem:s6], [sflag:$0x2] =	stream.indirect.gather [hbm4b:s2+s8], $0x1, s11, s8, $0xb8;
	[tilespmem:$0x4800] =	vst v63  }
0x27: {  	_ = 	snop  }
0x28: {  	[tilespmem:s13], [sflag:$0x1] =	stream.indirect.gather [hbm4b:s4+s8], $0x10, s12, s8, $0xb8;
	[tilespmem:$0x4800] =	vst v63  }
0x29: {  	_ = 	snop  }
0x2a: {  	[tilespmem:s14], [sflag:$0x2] =	stream.indirect.gather [hbm4b:s2+s8], $0x1, s12, s8, $0xb8;
	[tilespmem:$0x4800] =	vst v63  }
0x2b: {  	_ = 	snop  }
0x2c: {  	[tilespmem:s16], [sflag:$0x1] =	stream.indirect.gather [hbm4b:s4+s8], $0x10, s15, s8, $0xb8;
	[tilespmem:$0x4800] =	vst v63  }
0x2d: {  	_ = 	snop  }
0x2e: {  	[tilespmem:s17], [sflag:$0x2] =	stream.indirect.gather [hbm4b:s2+s8], $0x1, s15, s8, $0xb8;
	[tilespmem:$0x4800] =	vst v63  }
0x2f: {  	_ = 	snop  }
0x30: {  	[tilespmem:s19], [sflag:$0x1] =	stream.indirect.gather [hbm4b:s4+s8], $0x10, s18, s8, $0xb8;
	[tilespmem:$0x4800] =	vst v63  }
0x31: {  	_ = 	snop  }
0x32: {  	[tilespmem:s20], [sflag:$0x2] =	stream.indirect.gather [hbm4b:s2+s8], $0x1, s18, s8, $0xb8;
	[tilespmem:$0x4800] =	vst v63  }
0x33: {  	_ = 	snop  }
0x34: {  	[tilespmem:s22], [sflag:$0x1] =	stream.indirect.gather [hbm4b:s4+s8], $0x10, s21, s8, $0xb8;
	[tilespmem:$0x4800] =	vst v63  }
0x35: {  	_ = 	snop  }
0x36: {  	[tilespmem:s23], [sflag:$0x2] =	stream.indirect.gather [hbm4b:s2+s8], $0x1, s21, s8, $0xb8;
	[tilespmem:$0x4800] =	vst v63  }
0x37: {  	_ = 	snop  }
0x38: {  	[tilespmem:s25], [sflag:$0x1] =	stream.indirect.gather [hbm4b:s4+s8], $0x10, s24, s8, $0xb8;
	[tilespmem:$0x4800] =	vst v63  }
0x39: {  	_ = 	snop  }
0x3a: {  	[tilespmem:s26], [sflag:$0x2] =	stream.indirect.gather [hbm4b:s2+s8], $0x1, s24, s8, $0xb8;
	[tilespmem:$0x4800] =	vst v63  }
0x3b: {  	_ =	swait.ge [sflag:s28], $0x800  }
0x3c: {  	[sflag:s28] =	ssyncset.done $0x0  }
0x3d: {  	[sflag:s28] =	ssyncadd.s32 $0xFFFFF800  }
0x3e: {  	_ =	swait.ge [sflag:s29], $0x80  }
0x3f: {  	[sflag:s29] =	ssyncset.done $0x0  }
0x40: {  	[sflag:s29] =	ssyncadd.s32 $0xFFFFFF80  }
0x41: {  	_ =	swait.ge [sflag:s28], $0x800  }
0x42: {  	[sflag:s28] =	ssyncset.done $0x0  }
0x43: {  	[sflag:s28] =	ssyncadd.s32 $0xFFFFF800  }
0x44: {  	_ =	swait.ge [sflag:s29], $0x80  }
0x45: {  	[sflag:s29] =	ssyncset.done $0x0  }
0x46: {  	[sflag:s29] =	ssyncadd.s32 $0xFFFFFF80  }
0x47: {  	_ =	swait.ge [sflag:s28], $0x800  }
0x48: {  	[sflag:s28] =	ssyncset.done $0x0  }
0x49: {  	[sflag:s28] =	ssyncadd.s32 $0xFFFFF800  }
0x4a: {  	_ =	swait.ge [sflag:s29], $0x80  }
0x4b: {  	[sflag:s29] =	ssyncset.done $0x0  }
0x4c: {  	[sflag:s29] =	ssyncadd.s32 $0xFFFFFF80  }
0x4d: {  	_ =	swait.ge [sflag:s28], $0x800  }
0x4e: {  	[sflag:s28] =	ssyncset.done $0x0  }
0x4f: {  	[sflag:s28] =	ssyncadd.s32 $0xFFFFF800  }
0x50: {  	_ =	swait.ge [sflag:s29], $0x80  }
0x51: {  	[sflag:s29] =	ssyncset.done $0x0  }
0x52: {  	[sflag:s29] =	ssyncadd.s32 $0xFFFFFF80  }
0x53: {  	_ =	swait.ge [sflag:s28], $0x800  }
0x54: {  	[sflag:s28] =	ssyncset.done $0x0  }
0x55: {  	[sflag:s28] =	ssyncadd.s32 $0xFFFFF800  }
0x56: {  	_ =	swait.ge [sflag:s29], $0x80  }
0x57: {  	[sflag:s29] =	ssyncset.done $0x0  }
0x58: {  	[sflag:s29] =	ssyncadd.s32 $0xFFFFFF80  }
0x59: {  	_ =	swait.ge [sflag:s28], $0x800  }
0x5a: {  	[sflag:s28] =	ssyncset.done $0x0  }
0x5b: {  	[sflag:s28] =	ssyncadd.s32 $0xFFFFF800  }
0x5c: {  	_ =	swait.ge [sflag:s29], $0x80  }
0x5d: {  	[sflag:s29] =	ssyncset.done $0x0  }
0x5e: {  	[sflag:s29] =	ssyncadd.s32 $0xFFFFFF80  }
0x5f: {  	_ =	swait.ge [sflag:s28], $0x800  }
0x60: {  	[sflag:s28] =	ssyncset.done $0x0  }
0x61: {  	[sflag:s28] =	ssyncadd.s32 $0xFFFFF800  }
0x62: {  	_ =	swait.ge [sflag:s29], $0x80  }
0x63: {  	[sflag:s29] =	ssyncset.done $0x0  }
0x64: {  	[sflag:s29] =	ssyncadd.s32 $0xFFFFFF80  }
0x65: {  	_ =	swait.ge [sflag:s28], $0x800  }
0x66: {  	[sflag:s28] =	ssyncset.done $0x0  }
0x67: {  	[sflag:s28] =	ssyncadd.s32 $0xFFFFF800  }
0x68: {  	_ =	swait.ge [sflag:s29], $0x80  }
0x69: {  	[sflag:s29] =	ssyncset.done $0x0  }
0x6a: {  	s6 =	rddreg [dreg:$0xa];
	[sflag:s29] =	ssyncadd.s32 $0xFFFFFF80  }
0x6b: {  	[hbm4b:s6+s3] =	stream.linear.scatter [tilespmem:s9], [sflag:$0x3], $0x4000, $0x38;
	[tilespmem:$0x4800] =	vst v63  }
0x6c: {  	_ =	swait.ge [sflag:s7], $0x4000  }
0x6d: {  	s30 =	rddreg [dreg:$0x3];
	[sflag:s7] =	ssyncset.done $0x0  }
0x6e: {  	[sflag:s7] =	ssyncadd.s32 $0xFFFFC000;
	s0 =	sadd.s32 $0x0, s30  }
0x6f: {  	[hbm4b:s0+s3] =	stream.linear.scatter [tilespmem:s10], [sflag:$0x3], $0x400, $0x38;
	[tilespmem:$0x4800] =	vst v63  }
0x70: {  	s31 =	simm.s32 $0x80;
	_ =	swait.ge [sflag:s7], $0x400  }
0x71: {  	s1 =	simm.s32 $0x100;
	s0 =	rddreg [dreg:$0x4];
	[sflag:s7] =	ssyncset.done $0x0  }
.LBB2_2:
0x72: {  	[sflag:s7] =	ssyncadd.s32 $0xFFFFFC00;
	s0 =	sadd.s32 s31, s0  }
0x73: {  	[tilespmem:s3], [sflag:$0x3] =	stream.linear.gather [hbm4b:s0+s3], $0x400, $0x38;
	[tilespmem:$0x4800] =	vst v63  }
0x74: {  	_ =	swait.ge [sflag:s7], $0x400  }
0x75: {  	[sflag:s7] =	ssyncset.done $0x0  }
0x76: {  	[sflag:s7] =	ssyncadd.s32 $0xFFFFFC00  }
0x77: {  	[tilespmem:s9], [sflag:$0x1] =	stream.indirect.gather [hbm4b:s4+s8], $0x10, s3, s8, $0xb8;
	[tilespmem:$0x4800] =	vst v63  }
0x78: {  	_ = 	snop  }
0x79: {  	[tilespmem:s10], [sflag:$0x2] =	stream.indirect.gather [hbm4b:s2+s8], $0x1, s3, s8, $0xb8;
	[tilespmem:$0x4800] =	vst v63  }
0x7a: {  	s0 =	rddreg [dreg:$0x5]  }
0x7b: {  	[tilespmem:s0], [sflag:$0x1] =	stream.indirect.gather [hbm4b:s4+s8], $0x10, s8, s8, $0xb8;
	[tilespmem:$0x4800] =	vst v63  }
0x7c: {  	s30 =	rddreg [dreg:$0x6]  }
0x7d: {  	[tilespmem:s30], [sflag:$0x2] =	stream.indirect.gather [hbm4b:s2+s8], $0x1, s8, s8, $0xb8;
	[tilespmem:$0x4800] =	vst v63  }
0x7e: {  	s0 =	rddreg [dreg:$0x7]  }
0x7f: {  	[tilespmem:s0], [sflag:$0x1] =	stream.indirect.gather [hbm4b:s4+s8], $0x10, s11, s8, $0xb8;
	[tilespmem:$0x4800] =	vst v63  }
0x80: {  	s30 =	rddreg [dreg:$0x8]  }
0x81: {  	[tilespmem:s30], [sflag:$0x2] =	stream.indirect.gather [hbm4b:s2+s8], $0x1, s11, s8, $0xb8;
	[tilespmem:$0x4800] =	vst v63  }
0x82: {  	_ = 	snop  }
0x83: {  	[tilespmem:s13], [sflag:$0x1] =	stream.indirect.gather [hbm4b:s4+s8], $0x10, s12, s8, $0xb8;
	[tilespmem:$0x4800] =	vst v63  }
0x84: {  	_ = 	snop  }
0x85: {  	[tilespmem:s14], [sflag:$0x2] =	stream.indirect.gather [hbm4b:s2+s8], $0x1, s12, s8, $0xb8;
	[tilespmem:$0x4800] =	vst v63  }
0x86: {  	_ = 	snop  }
0x87: {  	[tilespmem:s16], [sflag:$0x1] =	stream.indirect.gather [hbm4b:s4+s8], $0x10, s15, s8, $0xb8;
	[tilespmem:$0x4800] =	vst v63  }
0x88: {  	_ = 	snop  }
0x89: {  	[tilespmem:s17], [sflag:$0x2] =	stream.indirect.gather [hbm4b:s2+s8], $0x1, s15, s8, $0xb8;
	[tilespmem:$0x4800] =	vst v63  }
0x8a: {  	_ = 	snop  }
0x8b: {  	[tilespmem:s19], [sflag:$0x1] =	stream.indirect.gather [hbm4b:s4+s8], $0x10, s18, s8, $0xb8;
	[tilespmem:$0x4800] =	vst v63  }
0x8c: {  	_ = 	snop  }
0x8d: {  	[tilespmem:s20], [sflag:$0x2] =	stream.indirect.gather [hbm4b:s2+s8], $0x1, s18, s8, $0xb8;
	[tilespmem:$0x4800] =	vst v63  }
0x8e: {  	_ = 	snop  }
0x8f: {  	[tilespmem:s22], [sflag:$0x1] =	stream.indirect.gather [hbm4b:s4+s8], $0x10, s21, s8, $0xb8;
	[tilespmem:$0x4800] =	vst v63  }
0x90: {  	_ = 	snop  }
0x91: {  	[tilespmem:s23], [sflag:$0x2] =	stream.indirect.gather [hbm4b:s2+s8], $0x1, s21, s8, $0xb8;
	[tilespmem:$0x4800] =	vst v63  }
0x92: {  	_ = 	snop  }
0x93: {  	[tilespmem:s25], [sflag:$0x1] =	stream.indirect.gather [hbm4b:s4+s8], $0x10, s24, s8, $0xb8;
	[tilespmem:$0x4800] =	vst v63  }
0x94: {  	_ = 	snop  }
0x95: {  	[tilespmem:s26], [sflag:$0x2] =	stream.indirect.gather [hbm4b:s2+s8], $0x1, s24, s8, $0xb8;
	[tilespmem:$0x4800] =	vst v63  }
0x96: {  	_ =	swait.ge [sflag:s28], $0x800  }
0x97: {  	[sflag:s28] =	ssyncset.done $0x0  }
0x98: {  	[sflag:s28] =	ssyncadd.s32 $0xFFFFF800  }
0x99: {  	_ =	swait.ge [sflag:s29], $0x80  }
0x9a: {  	[sflag:s29] =	ssyncset.done $0x0  }
0x9b: {  	[sflag:s29] =	ssyncadd.s32 $0xFFFFFF80  }
0x9c: {  	_ =	swait.ge [sflag:s28], $0x800  }
0x9d: {  	[sflag:s28] =	ssyncset.done $0x0  }
0x9e: {  	[sflag:s28] =	ssyncadd.s32 $0xFFFFF800  }
0x9f: {  	_ =	swait.ge [sflag:s29], $0x80  }
0xa0: {  	[sflag:s29] =	ssyncset.done $0x0  }
0xa1: {  	[sflag:s29] =	ssyncadd.s32 $0xFFFFFF80  }
0xa2: {  	_ =	swait.ge [sflag:s28], $0x800  }
0xa3: {  	[sflag:s28] =	ssyncset.done $0x0  }
0xa4: {  	[sflag:s28] =	ssyncadd.s32 $0xFFFFF800  }
0xa5: {  	_ =	swait.ge [sflag:s29], $0x80  }
0xa6: {  	[sflag:s29] =	ssyncset.done $0x0  }
0xa7: {  	[sflag:s29] =	ssyncadd.s32 $0xFFFFFF80  }
0xa8: {  	_ =	swait.ge [sflag:s28], $0x800  }
0xa9: {  	[sflag:s28] =	ssyncset.done $0x0  }
0xaa: {  	[sflag:s28] =	ssyncadd.s32 $0xFFFFF800  }
0xab: {  	_ =	swait.ge [sflag:s29], $0x80  }
0xac: {  	[sflag:s29] =	ssyncset.done $0x0  }
0xad: {  	[sflag:s29] =	ssyncadd.s32 $0xFFFFFF80  }
0xae: {  	_ =	swait.ge [sflag:s28], $0x800  }
0xaf: {  	[sflag:s28] =	ssyncset.done $0x0  }
0xb0: {  	[sflag:s28] =	ssyncadd.s32 $0xFFFFF800  }
0xb1: {  	_ =	swait.ge [sflag:s29], $0x80  }
0xb2: {  	[sflag:s29] =	ssyncset.done $0x0  }
0xb3: {  	[sflag:s29] =	ssyncadd.s32 $0xFFFFFF80  }
0xb4: {  	_ =	swait.ge [sflag:s28], $0x800  }
0xb5: {  	[sflag:s28] =	ssyncset.done $0x0  }
0xb6: {  	[sflag:s28] =	ssyncadd.s32 $0xFFFFF800  }
0xb7: {  	_ =	swait.ge [sflag:s29], $0x80  }
0xb8: {  	[sflag:s29] =	ssyncset.done $0x0  }
0xb9: {  	[sflag:s29] =	ssyncadd.s32 $0xFFFFFF80  }
0xba: {  	_ =	swait.ge [sflag:s28], $0x800  }
0xbb: {  	[sflag:s28] =	ssyncset.done $0x0  }
0xbc: {  	[sflag:s28] =	ssyncadd.s32 $0xFFFFF800  }
0xbd: {  	_ =	swait.ge [sflag:s29], $0x80  }
0xbe: {  	[sflag:s29] =	ssyncset.done $0x0  }
0xbf: {  	[sflag:s29] =	ssyncadd.s32 $0xFFFFFF80  }
0xc0: {  	_ =	swait.ge [sflag:s28], $0x800  }
0xc1: {  	[sflag:s28] =	ssyncset.done $0x0  }
0xc2: {  	[sflag:s28] =	ssyncadd.s32 $0xFFFFF800  }
0xc3: {  	_ =	swait.ge [sflag:s29], $0x80  }
0xc4: {  	[sflag:s29] =	ssyncset.done $0x0  }
0xc5: {  	s6 =	sadd.s32 $0x800, s6;
	[sflag:s29] =	ssyncadd.s32 $0xFFFFFF80  }
0xc6: {  	[hbm4b:s6+s3] =	stream.linear.scatter [tilespmem:s9], [sflag:$0x3], $0x4000, $0x38;
	[tilespmem:$0x4800] =	vst v63  }
0xc7: {  	p0 =	sne.s32 s1, $0x600;
	_ =	swait.ge [sflag:s7], $0x4000  }
.Ltmp0:
0xc8: {  	s30 =	rddreg [dreg:$0x3];
	[sflag:s7] =	ssyncset.done $0x0;
	(pc) =	sbr.rel @p0 .LBB2_2-.Ltmp0, $4  }
0xc9: {  	[sflag:s7] =	ssyncadd.s32 $0xFFFFC000;
	s0 =	sadd.s32 s31, s30  }
0xca: {  	[hbm4b:s0+s3] =	stream.linear.scatter [tilespmem:s10], [sflag:$0x3], $0x400, $0x38;
	[tilespmem:$0x4800] =	vst v63  }
0xcb: {  	s5 =	smov.u32 s1;
	s1 =	sadd.s32 $0x80, s1;
	_ =	swait.ge [sflag:s7], $0x400  }
0xcc: {  	s31 =	smov.u32 s5;
	s0 =	rddreg [dreg:$0x4];
	[sflag:s7] =	ssyncset.done $0x0  }
0xcd: {  	[sflag:s7] =	ssyncadd.s32 $0xFFFFFC00;
	s0 =	sadd.s32 s31, s0  }
0xce: {  	[tilespmem:s3], [sflag:$0x3] =	stream.linear.gather [hbm4b:s0+s3], $0x400, $0x38;
	[tilespmem:$0x4800] =	vst v63  }
0xcf: {  	_ =	swait.ge [sflag:s7], $0x400  }
0xd0: {  	[sflag:s7] =	ssyncset.done $0x0  }
0xd1: {  	[sflag:s7] =	ssyncadd.s32 $0xFFFFFC00  }
0xd2: {  	[tilespmem:s9], [sflag:$0x1] =	stream.indirect.gather [hbm4b:s4+s8], $0x10, s3, s8, $0xb8;
	[tilespmem:$0x4800] =	vst v63  }
0xd3: {  	_ = 	snop  }
0xd4: {  	[tilespmem:s10], [sflag:$0x2] =	stream.indirect.gather [hbm4b:s2+s8], $0x1, s3, s8, $0xb8;
	[tilespmem:$0x4800] =	vst v63  }
0xd5: {  	s30 =	rddreg [dreg:$0x5]  }
0xd6: {  	[tilespmem:s30], [sflag:$0x1] =	stream.indirect.gather [hbm4b:s4+s8], $0x10, s8, s8, $0xb8;
	[tilespmem:$0x4800] =	vst v63  }
0xd7: {  	s1 =	rddreg [dreg:$0x6]  }
0xd8: {  	[tilespmem:s1], [sflag:$0x2] =	stream.indirect.gather [hbm4b:s2+s8], $0x1, s8, s8, $0xb8;
	[tilespmem:$0x4800] =	vst v63  }
0xd9: {  	s5 =	rddreg [dreg:$0x7]  }
0xda: {  	[tilespmem:s5], [sflag:$0x1] =	stream.indirect.gather [hbm4b:s4+s8], $0x10, s11, s8, $0xb8;
	[tilespmem:$0x4800] =	vst v63  }
0xdb: {  	s30 =	rddreg [dreg:$0x8]  }
0xdc: {  	[tilespmem:s30], [sflag:$0x2] =	stream.indirect.gather [hbm4b:s2+s8], $0x1, s11, s8, $0xb8;
	[tilespmem:$0x4800] =	vst v63  }
0xdd: {  	_ = 	snop  }
0xde: {  	[tilespmem:s13], [sflag:$0x1] =	stream.indirect.gather [hbm4b:s4+s8], $0x10, s12, s8, $0xb8;
	[tilespmem:$0x4800] =	vst v63  }
0xdf: {  	_ = 	snop  }
0xe0: {  	[tilespmem:s14], [sflag:$0x2] =	stream.indirect.gather [hbm4b:s2+s8], $0x1, s12, s8, $0xb8;
	[tilespmem:$0x4800] =	vst v63  }
0xe1: {  	_ = 	snop  }
0xe2: {  	[tilespmem:s16], [sflag:$0x1] =	stream.indirect.gather [hbm4b:s4+s8], $0x10, s15, s8, $0xb8;
	[tilespmem:$0x4800] =	vst v63  }
0xe3: {  	_ = 	snop  }
0xe4: {  	[tilespmem:s17], [sflag:$0x2] =	stream.indirect.gather [hbm4b:s2+s8], $0x1, s15, s8, $0xb8;
	[tilespmem:$0x4800] =	vst v63  }
0xe5: {  	_ = 	snop  }
0xe6: {  	[tilespmem:s19], [sflag:$0x1] =	stream.indirect.gather [hbm4b:s4+s8], $0x10, s18, s8, $0xb8;
	[tilespmem:$0x4800] =	vst v63  }
0xe7: {  	_ = 	snop  }
0xe8: {  	[tilespmem:s20], [sflag:$0x2] =	stream.indirect.gather [hbm4b:s2+s8], $0x1, s18, s8, $0xb8;
	[tilespmem:$0x4800] =	vst v63  }
0xe9: {  	_ = 	snop  }
0xea: {  	[tilespmem:s22], [sflag:$0x1] =	stream.indirect.gather [hbm4b:s4+s8], $0x10, s21, s8, $0xb8;
	[tilespmem:$0x4800] =	vst v63  }
0xeb: {  	_ = 	snop  }
0xec: {  	[tilespmem:s23], [sflag:$0x2] =	stream.indirect.gather [hbm4b:s2+s8], $0x1, s21, s8, $0xb8;
	[tilespmem:$0x4800] =	vst v63  }
0xed: {  	_ = 	snop  }
0xee: {  	[tilespmem:s25], [sflag:$0x1] =	stream.indirect.gather [hbm4b:s4+s8], $0x10, s24, s8, $0xb8;
	[tilespmem:$0x4800] =	vst v63  }
0xef: {  	_ = 	snop  }
0xf0: {  	[tilespmem:s26], [sflag:$0x2] =	stream.indirect.gather [hbm4b:s2+s8], $0x1, s24, s8, $0xb8;
	[tilespmem:$0x4800] =	vst v63  }
0xf1: {  	_ =	swait.ge [sflag:s28], $0x800  }
0xf2: {  	[sflag:s28] =	ssyncset.done $0x0  }
0xf3: {  	[sflag:s28] =	ssyncadd.s32 $0xFFFFF800  }
0xf4: {  	_ =	swait.ge [sflag:s29], $0x80  }
0xf5: {  	[sflag:s29] =	ssyncset.done $0x0  }
0xf6: {  	[sflag:s29] =	ssyncadd.s32 $0xFFFFFF80  }
0xf7: {  	_ =	swait.ge [sflag:s28], $0x800  }
0xf8: {  	[sflag:s28] =	ssyncset.done $0x0  }
0xf9: {  	[sflag:s28] =	ssyncadd.s32 $0xFFFFF800  }
0xfa: {  	_ =	swait.ge [sflag:s29], $0x80  }
0xfb: {  	[sflag:s29] =	ssyncset.done $0x0  }
0xfc: {  	[sflag:s29] =	ssyncadd.s32 $0xFFFFFF80  }
0xfd: {  	_ =	swait.ge [sflag:s28], $0x800  }
0xfe: {  	[sflag:s28] =	ssyncset.done $0x0  }
0xff: {  	[sflag:s28] =	ssyncadd.s32 $0xFFFFF800  }
0x100: {  	_ =	swait.ge [sflag:s29], $0x80  }
0x101: {  	[sflag:s29] =	ssyncset.done $0x0  }
0x102: {  	[sflag:s29] =	ssyncadd.s32 $0xFFFFFF80  }
0x103: {  	_ =	swait.ge [sflag:s28], $0x800  }
0x104: {  	[sflag:s28] =	ssyncset.done $0x0  }
0x105: {  	[sflag:s28] =	ssyncadd.s32 $0xFFFFF800  }
0x106: {  	_ =	swait.ge [sflag:s29], $0x80  }
0x107: {  	[sflag:s29] =	ssyncset.done $0x0  }
0x108: {  	[sflag:s29] =	ssyncadd.s32 $0xFFFFFF80  }
0x109: {  	_ =	swait.ge [sflag:s28], $0x800  }
0x10a: {  	[sflag:s28] =	ssyncset.done $0x0  }
0x10b: {  	[sflag:s28] =	ssyncadd.s32 $0xFFFFF800  }
0x10c: {  	_ =	swait.ge [sflag:s29], $0x80  }
0x10d: {  	[sflag:s29] =	ssyncset.done $0x0  }
0x10e: {  	[sflag:s29] =	ssyncadd.s32 $0xFFFFFF80  }
0x10f: {  	_ =	swait.ge [sflag:s28], $0x800  }
0x110: {  	[sflag:s28] =	ssyncset.done $0x0  }
0x111: {  	[sflag:s28] =	ssyncadd.s32 $0xFFFFF800  }
0x112: {  	_ =	swait.ge [sflag:s29], $0x80  }
0x113: {  	[sflag:s29] =	ssyncset.done $0x0  }
0x114: {  	[sflag:s29] =	ssyncadd.s32 $0xFFFFFF80  }
0x115: {  	_ =	swait.ge [sflag:s28], $0x800  }
0x116: {  	[sflag:s28] =	ssyncset.done $0x0  }
0x117: {  	[sflag:s28] =	ssyncadd.s32 $0xFFFFF800  }
0x118: {  	_ =	swait.ge [sflag:s29], $0x80  }
0x119: {  	[sflag:s29] =	ssyncset.done $0x0  }
0x11a: {  	[sflag:s29] =	ssyncadd.s32 $0xFFFFFF80  }
0x11b: {  	_ =	swait.ge [sflag:s28], $0x800  }
0x11c: {  	[sflag:s28] =	ssyncset.done $0x0  }
0x11d: {  	[sflag:s28] =	ssyncadd.s32 $0xFFFFF800  }
0x11e: {  	_ =	swait.ge [sflag:s29], $0x80  }
0x11f: {  	[sflag:s29] =	ssyncset.done $0x0  }
0x120: {  	s5 =	sadd.s32 $0x800, s6;
	[sflag:s29] =	ssyncadd.s32 $0xFFFFFF80  }
0x121: {  	[hbm4b:s5+s3] =	stream.linear.scatter [tilespmem:s9], [sflag:$0x3], $0x4000, $0x38;
	[tilespmem:$0x4800] =	vst v63  }
0x122: {  	_ =	swait.ge [sflag:s7], $0x4000  }
0x123: {  	s6 =	rddreg [dreg:$0x3];
	[sflag:s7] =	ssyncset.done $0x0  }
0x124: {  	s0 =	sadd.s32 s31, s6;
	[sflag:s7] =	ssyncadd.s32 $0xFFFFC000  }
0x125: {  	[hbm4b:s0+s3] =	stream.linear.scatter [tilespmem:s10], [sflag:$0x3], $0x400, $0x38;
	[tilespmem:$0x4800] =	vst v63  }
0x126: {  	_ =	swait.ge [sflag:s7], $0x400  }
0x127: {  	s30 =	rddreg [dreg:$0xb]  }
0x128: {  	s31 =	rddreg [dreg:$0x9];
	s1 =	sadd.s32 $0x1, s30  }
0x129: {  	p0 =	sne.s32 s1, s31  }
.Ltmp1:
0x12a: {  	_ = 	snop;
	(pc) =	sbr.rel @p0 .LBB2_1-.Ltmp1, $3  }
0x12b: {  	_ =	sdelay $0x1  }
0x12c: {  	[sflag:s7] =	ssyncset.done $0x0  }
0x12d: {  	[sflag:s7] =	ssyncadd.s32 $0xFFFFFC00  }
0x12e: {  	_ =	sfence.sel $0x180000  }
0x12f: {  	[bflag:$0x0] =	sbarrier.arrive $0xFFFF  }
0x130: {  	_ =	strace $0x90000047  }
0x131: {  	s0 =	stileid.u32;
	[bflag:$0x2] =	sbarrier.arrive $0xFFFF  }
0x132: {  	p0 =	sne.s32 s0, $0x0;
	s0 =	rddreg [dreg:$0x2]  }
0x133: {  	s0 =	sadd.s32 @!p0 $0x100000, s0  }
0x134: {  	[sflag:s0] =	ssyncadd.tile.s32 @!p0 $0x1;
	_ =	shalt  }
.Lfunc_end2:
_tile_overlayer_lowered:
.L_overlay_start_2:
0x135: {  	(tag) =	ssettag $0x2  }
0x136: {  	s0 =	rddreg [dreg:$0x0];
	s2 =	stileid.u32  }
0x137: {  	s1 =	rddreg [dreg:$0x1];
	p0 =	sne.s32 s2, $0x0  }
0x138: {  	s3 =	rddreg [dreg:$0x2];
	[bflag:$0x3] =	sbarrier.arrive $0xFFFF;
	s2 =	simm.s32 @!p0 $0x1C03  }
0x139: {  	[timem:s3], [sflag:s2] =	dma.local @!p0 [hbm:s0], s1  }
0x13a: {  	s0 =	simm.s32 @!p0 $0x3  }
0x13b: {  	_ =	swait.ge @!p0 [sflag:s0], s1  }
0x13c: {  	s1 =	ssub.s32 @!p0 $0x0, s1;
	[sflag:s0] =	ssyncset.done @!p0 $0x0  }
0x13d: {  	[sflag:s0] =	ssyncadd.s32 @!p0 s1  }
0x13e: {  	[bflag:$0x3] =	sbarrier.arrive $0xFFFF  }
0x13f: {  	_ =	shalt  }

</sc_bundles>
